<compile_context>
chip_gen: v7x
topology: tpu7x:2x2x1
jax: 0.10.2.dev20260603
libtpu: 0.0.44.dev20260713+nightly
codegen_flags: <defaults>
</compile_context>

<pallas_src>
import functools

import jax
import jax.numpy as jnp
from jax import lax
from jax.experimental import pallas as pl
from jax.experimental.pallas import tpu as pltpu
from jax.experimental.pallas import tpu_sc as plsc

_VOCAB = 1000000
_EMBED_DIM = 32
_BATCH = 16384
_LANES = 16

_NUM_CORES = 2
_NUM_SUBCORES = 16
_NUM_WORKERS = _NUM_CORES * _NUM_SUBCORES
_B_PER_W = _BATCH // _NUM_WORKERS
_N_GROUPS = _B_PER_W // _LANES


@functools.partial(
    pl.kernel,
    mesh=plsc.VectorSubcoreMesh(core_axis_name="c", subcore_axis_name="s"),
    out_type=jax.ShapeDtypeStruct((_EMBED_DIM, _BATCH), jnp.float32),
    scratch_types=[
        pltpu.VMEM((_B_PER_W,), jnp.int32),
        pltpu.VMEM((_LANES, _EMBED_DIM, 128), jnp.float32),
        pltpu.VMEM((_EMBED_DIM, _B_PER_W), jnp.float32),
        pltpu.SemaphoreType.DMA,
    ],
    compiler_params=pltpu.CompilerParams(needs_layout_passes=False),
)
def _gather_cols(table_hbm, idx_hbm, out_hbm, idx_v, cols_v, obuf_v, sem):
    wid = lax.axis_index("s") * _NUM_CORES + lax.axis_index("c")
    base = wid * _B_PER_W
    pltpu.sync_copy(idx_hbm.at[pl.ds(base, _B_PER_W)], idx_v)

    iota16 = lax.iota(jnp.int32, _LANES)

    def _group(g, _):
        v = idx_v[pl.ds(g * _LANES, _LANES)]
        bvec = lax.shift_right_logical(v, 7)
        lvec = v & 127
        copies = []
        for k in range(_LANES):
            boff = pl.multiple_of(bvec[k] * 128, 128)
            copies.append(
                pltpu.async_copy(
                    table_hbm.at[:, pl.ds(boff, 128)],
                    cols_v.at[k],
                    sem,
                )
            )
        for c in copies:
            c.wait()
        for k in range(_LANES):
            lcol = jnp.full((_LANES,), lvec[k], jnp.int32)
            dstc = jnp.full((_LANES,), g * _LANES + k, jnp.int32)
            lo = plsc.load_gather(cols_v.at[k], [iota16, lcol])
            hi = plsc.load_gather(cols_v.at[k], [iota16 + _LANES, lcol])
            plsc.store_scatter(obuf_v, [iota16, dstc], lo)
            plsc.store_scatter(obuf_v, [iota16 + _LANES, dstc], hi)
        return 0

    lax.fori_loop(0, _N_GROUPS, _group, 0)

    pltpu.sync_copy(obuf_v, out_hbm.at[:, pl.ds(base, _B_PER_W)])


def kernel(table, indices):
    out_t = _gather_cols(table.T, indices.astype(jnp.int32))
    return out_t.T

# --- scband reference (transcript-rebuilt; emitter-appended) ---
"""Pipeline reference for scband-lazy-array-86053964743364 (READ-ONLY COPY).

The authoritative reference and input builder live on the scoring server;
editing this copy changes nothing except your own understanding.
"""

import jax, jax.numpy as jnp
import numpy as np

VOCAB = 1000000
EMBED_DIM = 32
BATCH = 16384


def setup_inputs(seed: int = 0) -> dict:
    key = jax.random.key(seed)
    k_table, k_idx = jax.random.split(key)
    # Learned parameter backing the lazy array: an embedding table of shape (VOCAB, EMBED_DIM).
    # LazyArray(shape=(VOCAB, EMBED_DIM), f=lambda i, j: table[i, j]) lazily materializes slices of it.
    table = jax.random.normal(k_table, (VOCAB, EMBED_DIM), dtype=jnp.float32)
    indices = jax.random.randint(k_idx, (BATCH,), 0, VOCAB, dtype=jnp.int64)
    return {"table": table, "indices": indices}


def reference(table, indices):
    # LazyArray.__getitem__(indices):
    #   coords = CartesianCoordinates(shape)[indices]  -> row-index broadcast against full column range
    #   out = f(i, j) = table[i, j]
    # For an integer index array over axis 0 this is exactly a row gather:
    out = jnp.take(table, indices, axis=0)
    # dtype cast path of LazyArray (dtype=float32, already matches)
    out = out.astype(jnp.float32)
    return out

if __name__ == "__main__":
    import jax
    _d = setup_inputs()
    print(jax.jit(kernel)(*tuple(_d.values())))

</pallas_src>

<mosaic_0001>
#map = affine_map<(d0, d1) -> (0, 0)>
#map1 = affine_map<(d0, d1) -> (0)>
module attributes {stable_mosaic.version = 14 : i64} {
  func.func @_gather_cols(%arg0: i32, %arg1: i32, %arg2: memref<32x1000000xf32, #tpu.memory_space<hbm>>, %arg3: memref<16384xi32, #tpu.memory_space<hbm>>, %arg4: memref<32x16384xf32, #tpu.memory_space<hbm>>, %arg5: memref<512xi32, #tpu.memory_space<vmem>>, %arg6: memref<16x32x128xf32, #tpu.memory_space<vmem>>, %arg7: memref<32x512xf32, #tpu.memory_space<vmem>>, %arg8: memref<!tpu.dma_semaphore, #tpu.memory_space<semaphore_mem>>) attributes {dimension_semantics = [#tpu.dimension_semantics<core_parallel>, #tpu.dimension_semantics<subcore_parallel>], iteration_bounds = array<i64: 2, 16>, scalar_prefetch = 0 : i64, scratch_operands = 4 : i64, tpu.core_type = #tpu.core_type<sc_vector_subcore>, window_params = [{transform_indices = #map}, {transform_indices = #map1}, {transform_indices = #map}]} {
    %mul3A = arith.constant 2 : i32
    %mul3A_0 = arith.muli %arg1, %mul3A : i32
    %add3A = arith.addi %mul3A_0, %arg0 : i32
    %mul3A_1 = arith.constant 512 : i32
    %mul3A_2 = arith.muli %add3A, %mul3A_1 : i32
    "tpu.region"() ({
      %run_scoped3A = tpu.sem_alloc : memref<!tpu.dma_semaphore, #tpu.memory_space<semaphore_mem>>
      %dma_start3A = tpu.memref_slice %arg3[%mul3A_2] : memref<16384xi32, #tpu.memory_space<hbm>> -> memref<512xi32, #tpu.memory_space<hbm>>
      %dma_start3A_9 = tpu.memref_slice %arg3[%mul3A_2] : memref<16384xi32, #tpu.memory_space<hbm>> -> memref<512xi32, #tpu.memory_space<hbm>>
      tpu.enqueue_dma source(%dma_start3A_9 : memref<512xi32, #tpu.memory_space<hbm>>) target(%arg5 : memref<512xi32, #tpu.memory_space<vmem>>) target_semaphore(%run_scoped3A : memref<!tpu.dma_semaphore, #tpu.memory_space<semaphore_mem>>)
      %dma_wait3A = tpu.memref_slice %arg3[%mul3A_2] : memref<16384xi32, #tpu.memory_space<hbm>> -> memref<512xi32, #tpu.memory_space<hbm>>
      %dma_wait3A_10 = tpu.memref_slice %arg3[%mul3A_2] : memref<16384xi32, #tpu.memory_space<hbm>> -> memref<512xi32, #tpu.memory_space<hbm>>
      tpu.wait_dma2 semaphore(%run_scoped3A : memref<!tpu.dma_semaphore, #tpu.memory_space<semaphore_mem>>) src(%dma_wait3A_10 : memref<512xi32, #tpu.memory_space<hbm>>) dst(%arg5 : memref<512xi32, #tpu.memory_space<vmem>>)
      tpu.yield
    }) : () -> ()
    %iota3A = tpu.iota {dimensions = array<i32: 0>} : vector<16xi32>
    %scan3A = arith.constant 0 : i32
    %scan3A_3 = arith.constant 0 : i32
    %scan3A_4 = arith.constant 32 : i32
    %scan3A_5 = arith.addi %scan3A_3, %scan3A_4 : i32
    %scan3A_6 = arith.constant 1 : i32
    %scan3A_7 = scf.for %scan3A_9 = %scan3A_3 to %scan3A_5 step %scan3A_6 iter_args(%scan3A_10 = %scan3A) -> (i32)  : i32 {
      %mul3A_11 = arith.constant 16 : i32
      %mul3A_12 = arith.muli %scan3A_9, %mul3A_11 : i32
      %get3A = arith.index_cast %mul3A_12 : i32 to index
      %get3A_13 = tpu.vector_load %arg5[%get3A] {strides = array<i32>} : memref<512xi32, #tpu.memory_space<vmem>>, vector<16xi32>,
      %shift_right_logical3A = arith.constant 7 : i32
      %shift_right_logical3A_14 = vector.broadcast %shift_right_logical3A : i32 to vector<16xi32>
      %shift_right_logical3A_15 = arith.shrui %get3A_13, %shift_right_logical3A_14 : vector<16xi32>
      %and3A = arith.constant 127 : i32
      %and3A_16 = vector.broadcast %and3A : i32 to vector<16xi32>
      %and3A_17 = arith.andi %get3A_13, %and3A_16 : vector<16xi32>
      %slice3A = vector.extract_strided_slice %shift_right_logical3A_15 {offsets = [0], sizes = [1], strides = [1]} : vector<16xi32> to vector<1xi32>
      %squeeze3A = vector.extract %slice3A[0] : i32 from vector<1xi32>
      %mul3A_18 = arith.constant 128 : i32
      %mul3A_19 = arith.muli %squeeze3A, %mul3A_18 : i32
      %multiple_of3A = tpu.assume_multiple %mul3A_19, 128 : i32
      %dma_start3A = arith.constant 0 : i32
      %dma_start3A_20 = arith.constant 0 : i32
      %dma_start3A_21 = arith.constant 0 : i32
      %dma_start3A_22 = tpu.memref_slice %arg6[%dma_start3A, %dma_start3A_20, %dma_start3A_21] : memref<16x32x128xf32, #tpu.memory_space<vmem>> -> memref<1x32x128xf32, #tpu.memory_space<vmem>>
      %dma_start3A_23 = tpu.memref_squeeze %dma_start3A_22 : memref<1x32x128xf32, #tpu.memory_space<vmem>> -> memref<32x128xf32, #tpu.memory_space<vmem>>
      %dma_start3A_24 = arith.constant 0 : i32
      %dma_start3A_25 = tpu.memref_slice %arg2[%dma_start3A_24, %multiple_of3A] : memref<32x1000000xf32, #tpu.memory_space<hbm>> -> memref<32x128xf32, #tpu.memory_space<hbm>>
      %dma_start3A_26 = arith.constant 0 : i32
      %dma_start3A_27 = arith.constant 0 : i32
      %dma_start3A_28 = tpu.memref_slice %arg6[%dma_start3A, %dma_start3A_26, %dma_start3A_27] : memref<16x32x128xf32, #tpu.memory_space<vmem>> -> memref<1x32x128xf32, #tpu.memory_space<vmem>>
      %dma_start3A_29 = tpu.memref_squeeze %dma_start3A_28 : memref<1x32x128xf32, #tpu.memory_space<vmem>> -> memref<32x128xf32, #tpu.memory_space<vmem>>
      %dma_start3A_30 = arith.constant 0 : i32
      %dma_start3A_31 = tpu.memref_slice %arg2[%dma_start3A_30, %multiple_of3A] : memref<32x1000000xf32, #tpu.memory_space<hbm>> -> memref<32x128xf32, #tpu.memory_space<hbm>>
      tpu.enqueue_dma source(%dma_start3A_31 : memref<32x128xf32, #tpu.memory_space<hbm>>) target(%dma_start3A_29 : memref<32x128xf32, #tpu.memory_space<vmem>>) target_semaphore(%arg8 : memref<!tpu.dma_semaphore, #tpu.memory_space<semaphore_mem>>)
      %slice3A_32 = vector.extract_strided_slice %shift_right_logical3A_15 {offsets = [1], sizes = [1], strides = [1]} : vector<16xi32> to vector<1xi32>
      %squeeze3A_33 = vector.extract %slice3A_32[0] : i32 from vector<1xi32>
      %mul3A_34 = arith.constant 128 : i32
      %mul3A_35 = arith.muli %squeeze3A_33, %mul3A_34 : i32
      %multiple_of3A_36 = tpu.assume_multiple %mul3A_35, 128 : i32
      %dma_start3A_37 = arith.constant 1 : i32
      %dma_start3A_38 = arith.constant 0 : i32
      %dma_start3A_39 = arith.constant 0 : i32
      %dma_start3A_40 = tpu.memref_slice %arg6[%dma_start3A_37, %dma_start3A_38, %dma_start3A_39] : memref<16x32x128xf32, #tpu.memory_space<vmem>> -> memref<1x32x128xf32, #tpu.memory_space<vmem>>
      %dma_start3A_41 = tpu.memref_squeeze %dma_start3A_40 : memref<1x32x128xf32, #tpu.memory_space<vmem>> -> memref<32x128xf32, #tpu.memory_space<vmem>>
      %dma_start3A_42 = arith.constant 0 : i32
      %dma_start3A_43 = tpu.memref_slice %arg2[%dma_start3A_42, %multiple_of3A_36] : memref<32x1000000xf32, #tpu.memory_space<hbm>> -> memref<32x128xf32, #tpu.memory_space<hbm>>
      %dma_start3A_44 = arith.constant 0 : i32
      %dma_start3A_45 = arith.constant 0 : i32
      %dma_start3A_46 = tpu.memref_slice %arg6[%dma_start3A_37, %dma_start3A_44, %dma_start3A_45] : memref<16x32x128xf32, #tpu.memory_space<vmem>> -> memref<1x32x128xf32, #tpu.memory_space<vmem>>
      %dma_start3A_47 = tpu.memref_squeeze %dma_start3A_46 : memref<1x32x128xf32, #tpu.memory_space<vmem>> -> memref<32x128xf32, #tpu.memory_space<vmem>>
      %dma_start3A_48 = arith.constant 0 : i32
      %dma_start3A_49 = tpu.memref_slice %arg2[%dma_start3A_48, %multiple_of3A_36] : memref<32x1000000xf32, #tpu.memory_space<hbm>> -> memref<32x128xf32, #tpu.memory_space<hbm>>
      tpu.enqueue_dma source(%dma_start3A_49 : memref<32x128xf32, #tpu.memory_space<hbm>>) target(%dma_start3A_47 : memref<32x128xf32, #tpu.memory_space<vmem>>) target_semaphore(%arg8 : memref<!tpu.dma_semaphore, #tpu.memory_space<semaphore_mem>>)
      %slice3A_50 = vector.extract_strided_slice %shift_right_logical3A_15 {offsets = [2], sizes = [1], strides = [1]} : vector<16xi32> to vector<1xi32>
      %squeeze3A_51 = vector.extract %slice3A_50[0] : i32 from vector<1xi32>
      %mul3A_52 = arith.constant 128 : i32
      %mul3A_53 = arith.muli %squeeze3A_51, %mul3A_52 : i32
      %multiple_of3A_54 = tpu.assume_multiple %mul3A_53, 128 : i32
      %dma_start3A_55 = arith.constant 2 : i32
      %dma_start3A_56 = arith.constant 0 : i32
      %dma_start3A_57 = arith.constant 0 : i32
      %dma_start3A_58 = tpu.memref_slice %arg6[%dma_start3A_55, %dma_start3A_56, %dma_start3A_57] : memref<16x32x128xf32, #tpu.memory_space<vmem>> -> memref<1x32x128xf32, #tpu.memory_space<vmem>>
      %dma_start3A_59 = tpu.memref_squeeze %dma_start3A_58 : memref<1x32x128xf32, #tpu.memory_space<vmem>> -> memref<32x128xf32, #tpu.memory_space<vmem>>
      %dma_start3A_60 = arith.constant 0 : i32
      %dma_start3A_61 = tpu.memref_slice %arg2[%dma_start3A_60, %multiple_of3A_54] : memref<32x1000000xf32, #tpu.memory_space<hbm>> -> memref<32x128xf32, #tpu.memory_space<hbm>>
      %dma_start3A_62 = arith.constant 0 : i32
      %dma_start3A_63 = arith.constant 0 : i32
      %dma_start3A_64 = tpu.memref_slice %arg6[%dma_start3A_55, %dma_start3A_62, %dma_start3A_63] : memref<16x32x128xf32, #tpu.memory_space<vmem>> -> memref<1x32x128xf32, #tpu.memory_space<vmem>>
      %dma_start3A_65 = tpu.memref_squeeze %dma_start3A_64 : memref<1x32x128xf32, #tpu.memory_space<vmem>> -> memref<32x128xf32, #tpu.memory_space<vmem>>
      %dma_start3A_66 = arith.constant 0 : i32
      %dma_start3A_67 = tpu.memref_slice %arg2[%dma_start3A_66, %multiple_of3A_54] : memref<32x1000000xf32, #tpu.memory_space<hbm>> -> memref<32x128xf32, #tpu.memory_space<hbm>>
      tpu.enqueue_dma source(%dma_start3A_67 : memref<32x128xf32, #tpu.memory_space<hbm>>) target(%dma_start3A_65 : memref<32x128xf32, #tpu.memory_space<vmem>>) target_semaphore(%arg8 : memref<!tpu.dma_semaphore, #tpu.memory_space<semaphore_mem>>)
      %slice3A_68 = vector.extract_strided_slice %shift_right_logical3A_15 {offsets = [3], sizes = [1], strides = [1]} : vector<16xi32> to vector<1xi32>
      %squeeze3A_69 = vector.extract %slice3A_68[0] : i32 from vector<1xi32>
      %mul3A_70 = arith.constant 128 : i32
      %mul3A_71 = arith.muli %squeeze3A_69, %mul3A_70 : i32
      %multiple_of3A_72 = tpu.assume_multiple %mul3A_71, 128 : i32
      %dma_start3A_73 = arith.constant 3 : i32
      %dma_start3A_74 = arith.constant 0 : i32
      %dma_start3A_75 = arith.constant 0 : i32
      %dma_start3A_76 = tpu.memref_slice %arg6[%dma_start3A_73, %dma_start3A_74, %dma_start3A_75] : memref<16x32x128xf32, #tpu.memory_space<vmem>> -> memref<1x32x128xf32, #tpu.memory_space<vmem>>
      %dma_start3A_77 = tpu.memref_squeeze %dma_start3A_76 : memref<1x32x128xf32, #tpu.memory_space<vmem>> -> memref<32x128xf32, #tpu.memory_space<vmem>>
      %dma_start3A_78 = arith.constant 0 : i32
      %dma_start3A_79 = tpu.memref_slice %arg2[%dma_start3A_78, %multiple_of3A_72] : memref<32x1000000xf32, #tpu.memory_space<hbm>> -> memref<32x128xf32, #tpu.memory_space<hbm>>
      %dma_start3A_80 = arith.constant 0 : i32
      %dma_start3A_81 = arith.constant 0 : i32
      %dma_start3A_82 = tpu.memref_slice %arg6[%dma_start3A_73, %dma_start3A_80, %dma_start3A_81] : memref<16x32x128xf32, #tpu.memory_space<vmem>> -> memref<1x32x128xf32, #tpu.memory_space<vmem>>
      %dma_start3A_83 = tpu.memref_squeeze %dma_start3A_82 : memref<1x32x128xf32, #tpu.memory_space<vmem>> -> memref<32x128xf32, #tpu.memory_space<vmem>>
      %dma_start3A_84 = arith.constant 0 : i32
      %dma_start3A_85 = tpu.memref_slice %arg2[%dma_start3A_84, %multiple_of3A_72] : memref<32x1000000xf32, #tpu.memory_space<hbm>> -> memref<32x128xf32, #tpu.memory_space<hbm>>
      tpu.enqueue_dma source(%dma_start3A_85 : memref<32x128xf32, #tpu.memory_space<hbm>>) target(%dma_start3A_83 : memref<32x128xf32, #tpu.memory_space<vmem>>) target_semaphore(%arg8 : memref<!tpu.dma_semaphore, #tpu.memory_space<semaphore_mem>>)
      %slice3A_86 = vector.extract_strided_slice %shift_right_logical3A_15 {offsets = [4], sizes = [1], strides = [1]} : vector<16xi32> to vector<1xi32>
      %squeeze3A_87 = vector.extract %slice3A_86[0] : i32 from vector<1xi32>
      %mul3A_88 = arith.constant 128 : i32
      %mul3A_89 = arith.muli %squeeze3A_87, %mul3A_88 : i32
      %multiple_of3A_90 = tpu.assume_multiple %mul3A_89, 128 : i32
      %dma_start3A_91 = arith.constant 4 : i32
      %dma_start3A_92 = arith.constant 0 : i32
      %dma_start3A_93 = arith.constant 0 : i32
      %dma_start3A_94 = tpu.memref_slice %arg6[%dma_start3A_91, %dma_start3A_92, %dma_start3A_93] : memref<16x32x128xf32, #tpu.memory_space<vmem>> -> memref<1x32x128xf32, #tpu.memory_space<vmem>>
      %dma_start3A_95 = tpu.memref_squeeze %dma_start3A_94 : memref<1x32x128xf32, #tpu.memory_space<vmem>> -> memref<32x128xf32, #tpu.memory_space<vmem>>
      %dma_start3A_96 = arith.constant 0 : i32
      %dma_start3A_97 = tpu.memref_slice %arg2[%dma_start3A_96, %multiple_of3A_90] : memref<32x1000000xf32, #tpu.memory_space<hbm>> -> memref<32x128xf32, #tpu.memory_space<hbm>>
      %dma_start3A_98 = arith.constant 0 : i32
      %dma_start3A_99 = arith.constant 0 : i32
      %dma_start3A_100 = tpu.memref_slice %arg6[%dma_start3A_91, %dma_start3A_98, %dma_start3A_99] : memref<16x32x128xf32, #tpu.memory_space<vmem>> -> memref<1x32x128xf32, #tpu.memory_space<vmem>>
      %dma_start3A_101 = tpu.memref_squeeze %dma_start3A_100 : memref<1x32x128xf32, #tpu.memory_space<vmem>> -> memref<32x128xf32, #tpu.memory_space<vmem>>
      %dma_start3A_102 = arith.constant 0 : i32
      %dma_start3A_103 = tpu.memref_slice %arg2[%dma_start3A_102, %multiple_of3A_90] : memref<32x1000000xf32, #tpu.memory_space<hbm>> -> memref<32x128xf32, #tpu.memory_space<hbm>>
      tpu.enqueue_dma source(%dma_start3A_103 : memref<32x128xf32, #tpu.memory_space<hbm>>) target(%dma_start3A_101 : memref<32x128xf32, #tpu.memory_space<vmem>>) target_semaphore(%arg8 : memref<!tpu.dma_semaphore, #tpu.memory_space<semaphore_mem>>)
      %slice3A_104 = vector.extract_strided_slice %shift_right_logical3A_15 {offsets = [5], sizes = [1], strides = [1]} : vector<16xi32> to vector<1xi32>
      %squeeze3A_105 = vector.extract %slice3A_104[0] : i32 from vector<1xi32>
      %mul3A_106 = arith.constant 128 : i32
      %mul3A_107 = arith.muli %squeeze3A_105, %mul3A_106 : i32
      %multiple_of3A_108 = tpu.assume_multiple %mul3A_107, 128 : i32
      %dma_start3A_109 = arith.constant 5 : i32
      %dma_start3A_110 = arith.constant 0 : i32
      %dma_start3A_111 = arith.constant 0 : i32
      %dma_start3A_112 = tpu.memref_slice %arg6[%dma_start3A_109, %dma_start3A_110, %dma_start3A_111] : memref<16x32x128xf32, #tpu.memory_space<vmem>> -> memref<1x32x128xf32, #tpu.memory_space<vmem>>
      %dma_start3A_113 = tpu.memref_squeeze %dma_start3A_112 : memref<1x32x128xf32, #tpu.memory_space<vmem>> -> memref<32x128xf32, #tpu.memory_space<vmem>>
      %dma_start3A_114 = arith.constant 0 : i32
      %dma_start3A_115 = tpu.memref_slice %arg2[%dma_start3A_114, %multiple_of3A_108] : memref<32x1000000xf32, #tpu.memory_space<hbm>> -> memref<32x128xf32, #tpu.memory_space<hbm>>
      %dma_start3A_116 = arith.constant 0 : i32
      %dma_start3A_117 = arith.constant 0 : i32
      %dma_start3A_118 = tpu.memref_slice %arg6[%dma_start3A_109, %dma_start3A_116, %dma_start3A_117] : memref<16x32x128xf32, #tpu.memory_space<vmem>> -> memref<1x32x128xf32, #tpu.memory_space<vmem>>
      %dma_start3A_119 = tpu.memref_squeeze %dma_start3A_118 : memref<1x32x128xf32, #tpu.memory_space<vmem>> -> memref<32x128xf32, #tpu.memory_space<vmem>>
      %dma_start3A_120 = arith.constant 0 : i32
      %dma_start3A_121 = tpu.memref_slice %arg2[%dma_start3A_120, %multiple_of3A_108] : memref<32x1000000xf32, #tpu.memory_space<hbm>> -> memref<32x128xf32, #tpu.memory_space<hbm>>
      tpu.enqueue_dma source(%dma_start3A_121 : memref<32x128xf32, #tpu.memory_space<hbm>>) target(%dma_start3A_119 : memref<32x128xf32, #tpu.memory_space<vmem>>) target_semaphore(%arg8 : memref<!tpu.dma_semaphore, #tpu.memory_space<semaphore_mem>>)
      %slice3A_122 = vector.extract_strided_slice %shift_right_logical3A_15 {offsets = [6], sizes = [1], strides = [1]} : vector<16xi32> to vector<1xi32>
      %squeeze3A_123 = vector.extract %slice3A_122[0] : i32 from vector<1xi32>
      %mul3A_124 = arith.constant 128 : i32
      %mul3A_125 = arith.muli %squeeze3A_123, %mul3A_124 : i32
      %multiple_of3A_126 = tpu.assume_multiple %mul3A_125, 128 : i32
      %dma_start3A_127 = arith.constant 6 : i32
      %dma_start3A_128 = arith.constant 0 : i32
      %dma_start3A_129 = arith.constant 0 : i32
      %dma_start3A_130 = tpu.memref_slice %arg6[%dma_start3A_127, %dma_start3A_128, %dma_start3A_129] : memref<16x32x128xf32, #tpu.memory_space<vmem>> -> memref<1x32x128xf32, #tpu.memory_space<vmem>>
      %dma_start3A_131 = tpu.memref_squeeze %dma_start3A_130 : memref<1x32x128xf32, #tpu.memory_space<vmem>> -> memref<32x128xf32, #tpu.memory_space<vmem>>
      %dma_start3A_132 = arith.constant 0 : i32
      %dma_start3A_133 = tpu.memref_slice %arg2[%dma_start3A_132, %multiple_of3A_126] : memref<32x1000000xf32, #tpu.memory_space<hbm>> -> memref<32x128xf32, #tpu.memory_space<hbm>>
      %dma_start3A_134 = arith.constant 0 : i32
      %dma_start3A_135 = arith.constant 0 : i32
      %dma_start3A_136 = tpu.memref_slice %arg6[%dma_start3A_127, %dma_start3A_134, %dma_start3A_135] : memref<16x32x128xf32, #tpu.memory_space<vmem>> -> memref<1x32x128xf32, #tpu.memory_space<vmem>>
      %dma_start3A_137 = tpu.memref_squeeze %dma_start3A_136 : memref<1x32x128xf32, #tpu.memory_space<vmem>> -> memref<32x128xf32, #tpu.memory_space<vmem>>
      %dma_start3A_138 = arith.constant 0 : i32
      %dma_start3A_139 = tpu.memref_slice %arg2[%dma_start3A_138, %multiple_of3A_126] : memref<32x1000000xf32, #tpu.memory_space<hbm>> -> memref<32x128xf32, #tpu.memory_space<hbm>>
      tpu.enqueue_dma source(%dma_start3A_139 : memref<32x128xf32, #tpu.memory_space<hbm>>) target(%dma_start3A_137 : memref<32x128xf32, #tpu.memory_space<vmem>>) target_semaphore(%arg8 : memref<!tpu.dma_semaphore, #tpu.memory_space<semaphore_mem>>)
      %slice3A_140 = vector.extract_strided_slice %shift_right_logical3A_15 {offsets = [7], sizes = [1], strides = [1]} : vector<16xi32> to vector<1xi32>
      %squeeze3A_141 = vector.extract %slice3A_140[0] : i32 from vector<1xi32>
      %mul3A_142 = arith.constant 128 : i32
      %mul3A_143 = arith.muli %squeeze3A_141, %mul3A_142 : i32
      %multiple_of3A_144 = tpu.assume_multiple %mul3A_143, 128 : i32
      %dma_start3A_145 = arith.constant 7 : i32
      %dma_start3A_146 = arith.constant 0 : i32
      %dma_start3A_147 = arith.constant 0 : i32
      %dma_start3A_148 = tpu.memref_slice %arg6[%dma_start3A_145, %dma_start3A_146, %dma_start3A_147] : memref<16x32x128xf32, #tpu.memory_space<vmem>> -> memref<1x32x128xf32, #tpu.memory_space<vmem>>
      %dma_start3A_149 = tpu.memref_squeeze %dma_start3A_148 : memref<1x32x128xf32, #tpu.memory_space<vmem>> -> memref<32x128xf32, #tpu.memory_space<vmem>>
      %dma_start3A_150 = arith.constant 0 : i32
      %dma_start3A_151 = tpu.memref_slice %arg2[%dma_start3A_150, %multiple_of3A_144] : memref<32x1000000xf32, #tpu.memory_space<hbm>> -> memref<32x128xf32, #tpu.memory_space<hbm>>
      %dma_start3A_152 = arith.constant 0 : i32
      %dma_start3A_153 = arith.constant 0 : i32
      %dma_start3A_154 = tpu.memref_slice %arg6[%dma_start3A_145, %dma_start3A_152, %dma_start3A_153] : memref<16x32x128xf32, #tpu.memory_space<vmem>> -> memref<1x32x128xf32, #tpu.memory_space<vmem>>
      %dma_start3A_155 = tpu.memref_squeeze %dma_start3A_154 : memref<1x32x128xf32, #tpu.memory_space<vmem>> -> memref<32x128xf32, #tpu.memory_space<vmem>>
      %dma_start3A_156 = arith.constant 0 : i32
      %dma_start3A_157 = tpu.memref_slice %arg2[%dma_start3A_156, %multiple_of3A_144] : memref<32x1000000xf32, #tpu.memory_space<hbm>> -> memref<32x128xf32, #tpu.memory_space<hbm>>
      tpu.enqueue_dma source(%dma_start3A_157 : memref<32x128xf32, #tpu.memory_space<hbm>>) target(%dma_start3A_155 : memref<32x128xf32, #tpu.memory_space<vmem>>) target_semaphore(%arg8 : memref<!tpu.dma_semaphore, #tpu.memory_space<semaphore_mem>>)
      %slice3A_158 = vector.extract_strided_slice %shift_right_logical3A_15 {offsets = [8], sizes = [1], strides = [1]} : vector<16xi32> to vector<1xi32>
      %squeeze3A_159 = vector.extract %slice3A_158[0] : i32 from vector<1xi32>
      %mul3A_160 = arith.constant 128 : i32
      %mul3A_161 = arith.muli %squeeze3A_159, %mul3A_160 : i32
      %multiple_of3A_162 = tpu.assume_multiple %mul3A_161, 128 : i32
      %dma_start3A_163 = arith.constant 8 : i32
      %dma_start3A_164 = arith.constant 0 : i32
      %dma_start3A_165 = arith.constant 0 : i32
      %dma_start3A_166 = tpu.memref_slice %arg6[%dma_start3A_163, %dma_start3A_164, %dma_start3A_165] : memref<16x32x128xf32, #tpu.memory_space<vmem>> -> memref<1x32x128xf32, #tpu.memory_space<vmem>>
      %dma_start3A_167 = tpu.memref_squeeze %dma_start3A_166 : memref<1x32x128xf32, #tpu.memory_space<vmem>> -> memref<32x128xf32, #tpu.memory_space<vmem>>
      %dma_start3A_168 = arith.constant 0 : i32
      %dma_start3A_169 = tpu.memref_slice %arg2[%dma_start3A_168, %multiple_of3A_162] : memref<32x1000000xf32, #tpu.memory_space<hbm>> -> memref<32x128xf32, #tpu.memory_space<hbm>>
      %dma_start3A_170 = arith.constant 0 : i32
      %dma_start3A_171 = arith.constant 0 : i32
      %dma_start3A_172 = tpu.memref_slice %arg6[%dma_start3A_163, %dma_start3A_170, %dma_start3A_171] : memref<16x32x128xf32, #tpu.memory_space<vmem>> -> memref<1x32x128xf32, #tpu.memory_space<vmem>>
      %dma_start3A_173 = tpu.memref_squeeze %dma_start3A_172 : memref<1x32x128xf32, #tpu.memory_space<vmem>> -> memref<32x128xf32, #tpu.memory_space<vmem>>
      %dma_start3A_174 = arith.constant 0 : i32
      %dma_start3A_175 = tpu.memref_slice %arg2[%dma_start3A_174, %multiple_of3A_162] : memref<32x1000000xf32, #tpu.memory_space<hbm>> -> memref<32x128xf32, #tpu.memory_space<hbm>>
      tpu.enqueue_dma source(%dma_start3A_175 : memref<32x128xf32, #tpu.memory_space<hbm>>) target(%dma_start3A_173 : memref<32x128xf32, #tpu.memory_space<vmem>>) target_semaphore(%arg8 : memref<!tpu.dma_semaphore, #tpu.memory_space<semaphore_mem>>)
      %slice3A_176 = vector.extract_strided_slice %shift_right_logical3A_15 {offsets = [9], sizes = [1], strides = [1]} : vector<16xi32> to vector<1xi32>
      %squeeze3A_177 = vector.extract %slice3A_176[0] : i32 from vector<1xi32>
      %mul3A_178 = arith.constant 128 : i32
      %mul3A_179 = arith.muli %squeeze3A_177, %mul3A_178 : i32
      %multiple_of3A_180 = tpu.assume_multiple %mul3A_179, 128 : i32
      %dma_start3A_181 = arith.constant 9 : i32
      %dma_start3A_182 = arith.constant 0 : i32
      %dma_start3A_183 = arith.constant 0 : i32
      %dma_start3A_184 = tpu.memref_slice %arg6[%dma_start3A_181, %dma_start3A_182, %dma_start3A_183] : memref<16x32x128xf32, #tpu.memory_space<vmem>> -> memref<1x32x128xf32, #tpu.memory_space<vmem>>
      %dma_start3A_185 = tpu.memref_squeeze %dma_start3A_184 : memref<1x32x128xf32, #tpu.memory_space<vmem>> -> memref<32x128xf32, #tpu.memory_space<vmem>>
      %dma_start3A_186 = arith.constant 0 : i32
      %dma_start3A_187 = tpu.memref_slice %arg2[%dma_start3A_186, %multiple_of3A_180] : memref<32x1000000xf32, #tpu.memory_space<hbm>> -> memref<32x128xf32, #tpu.memory_space<hbm>>
      %dma_start3A_188 = arith.constant 0 : i32
      %dma_start3A_189 = arith.constant 0 : i32
      %dma_start3A_190 = tpu.memref_slice %arg6[%dma_start3A_181, %dma_start3A_188, %dma_start3A_189] : memref<16x32x128xf32, #tpu.memory_space<vmem>> -> memref<1x32x128xf32, #tpu.memory_space<vmem>>
      %dma_start3A_191 = tpu.memref_squeeze %dma_start3A_190 : memref<1x32x128xf32, #tpu.memory_space<vmem>> -> memref<32x128xf32, #tpu.memory_space<vmem>>
      %dma_start3A_192 = arith.constant 0 : i32
      %dma_start3A_193 = tpu.memref_slice %arg2[%dma_start3A_192, %multiple_of3A_180] : memref<32x1000000xf32, #tpu.memory_space<hbm>> -> memref<32x128xf32, #tpu.memory_space<hbm>>
      tpu.enqueue_dma source(%dma_start3A_193 : memref<32x128xf32, #tpu.memory_space<hbm>>) target(%dma_start3A_191 : memref<32x128xf32, #tpu.memory_space<vmem>>) target_semaphore(%arg8 : memref<!tpu.dma_semaphore, #tpu.memory_space<semaphore_mem>>)
      %slice3A_194 = vector.extract_strided_slice %shift_right_logical3A_15 {offsets = [10], sizes = [1], strides = [1]} : vector<16xi32> to vector<1xi32>
      %squeeze3A_195 = vector.extract %slice3A_194[0] : i32 from vector<1xi32>
      %mul3A_196 = arith.constant 128 : i32
      %mul3A_197 = arith.muli %squeeze3A_195, %mul3A_196 : i32
      %multiple_of3A_198 = tpu.assume_multiple %mul3A_197, 128 : i32
      %dma_start3A_199 = arith.constant 10 : i32
      %dma_start3A_200 = arith.constant 0 : i32
      %dma_start3A_201 = arith.constant 0 : i32
      %dma_start3A_202 = tpu.memref_slice %arg6[%dma_start3A_199, %dma_start3A_200, %dma_start3A_201] : memref<16x32x128xf32, #tpu.memory_space<vmem>> -> memref<1x32x128xf32, #tpu.memory_space<vmem>>
      %dma_start3A_203 = tpu.memref_squeeze %dma_start3A_202 : memref<1x32x128xf32, #tpu.memory_space<vmem>> -> memref<32x128xf32, #tpu.memory_space<vmem>>
      %dma_start3A_204 = arith.constant 0 : i32
      %dma_start3A_205 = tpu.memref_slice %arg2[%dma_start3A_204, %multiple_of3A_198] : memref<32x1000000xf32, #tpu.memory_space<hbm>> -> memref<32x128xf32, #tpu.memory_space<hbm>>
      %dma_start3A_206 = arith.constant 0 : i32
      %dma_start3A_207 = arith.constant 0 : i32
      %dma_start3A_208 = tpu.memref_slice %arg6[%dma_start3A_199, %dma_start3A_206, %dma_start3A_207] : memref<16x32x128xf32, #tpu.memory_space<vmem>> -> memref<1x32x128xf32, #tpu.memory_space<vmem>>
      %dma_start3A_209 = tpu.memref_squeeze %dma_start3A_208 : memref<1x32x128xf32, #tpu.memory_space<vmem>> -> memref<32x128xf32, #tpu.memory_space<vmem>>
      %dma_start3A_210 = arith.constant 0 : i32
      %dma_start3A_211 = tpu.memref_slice %arg2[%dma_start3A_210, %multiple_of3A_198] : memref<32x1000000xf32, #tpu.memory_space<hbm>> -> memref<32x128xf32, #tpu.memory_space<hbm>>
      tpu.enqueue_dma source(%dma_start3A_211 : memref<32x128xf32, #tpu.memory_space<hbm>>) target(%dma_start3A_209 : memref<32x128xf32, #tpu.memory_space<vmem>>) target_semaphore(%arg8 : memref<!tpu.dma_semaphore, #tpu.memory_space<semaphore_mem>>)
      %slice3A_212 = vector.extract_strided_slice %shift_right_logical3A_15 {offsets = [11], sizes = [1], strides = [1]} : vector<16xi32> to vector<1xi32>
      %squeeze3A_213 = vector.extract %slice3A_212[0] : i32 from vector<1xi32>
      %mul3A_214 = arith.constant 128 : i32
      %mul3A_215 = arith.muli %squeeze3A_213, %mul3A_214 : i32
      %multiple_of3A_216 = tpu.assume_multiple %mul3A_215, 128 : i32
      %dma_start3A_217 = arith.constant 11 : i32
      %dma_start3A_218 = arith.constant 0 : i32
      %dma_start3A_219 = arith.constant 0 : i32
      %dma_start3A_220 = tpu.memref_slice %arg6[%dma_start3A_217, %dma_start3A_218, %dma_start3A_219] : memref<16x32x128xf32, #tpu.memory_space<vmem>> -> memref<1x32x128xf32, #tpu.memory_space<vmem>>
      %dma_start3A_221 = tpu.memref_squeeze %dma_start3A_220 : memref<1x32x128xf32, #tpu.memory_space<vmem>> -> memref<32x128xf32, #tpu.memory_space<vmem>>
      %dma_start3A_222 = arith.constant 0 : i32
      %dma_start3A_223 = tpu.memref_slice %arg2[%dma_start3A_222, %multiple_of3A_216] : memref<32x1000000xf32, #tpu.memory_space<hbm>> -> memref<32x128xf32, #tpu.memory_space<hbm>>
      %dma_start3A_224 = arith.constant 0 : i32
      %dma_start3A_225 = arith.constant 0 : i32
      %dma_start3A_226 = tpu.memref_slice %arg6[%dma_start3A_217, %dma_start3A_224, %dma_start3A_225] : memref<16x32x128xf32, #tpu.memory_space<vmem>> -> memref<1x32x128xf32, #tpu.memory_space<vmem>>
      %dma_start3A_227 = tpu.memref_squeeze %dma_start3A_226 : memref<1x32x128xf32, #tpu.memory_space<vmem>> -> memref<32x128xf32, #tpu.memory_space<vmem>>
      %dma_start3A_228 = arith.constant 0 : i32
      %dma_start3A_229 = tpu.memref_slice %arg2[%dma_start3A_228, %multiple_of3A_216] : memref<32x1000000xf32, #tpu.memory_space<hbm>> -> memref<32x128xf32, #tpu.memory_space<hbm>>
      tpu.enqueue_dma source(%dma_start3A_229 : memref<32x128xf32, #tpu.memory_space<hbm>>) target(%dma_start3A_227 : memref<32x128xf32, #tpu.memory_space<vmem>>) target_semaphore(%arg8 : memref<!tpu.dma_semaphore, #tpu.memory_space<semaphore_mem>>)
      %slice3A_230 = vector.extract_strided_slice %shift_right_logical3A_15 {offsets = [12], sizes = [1], strides = [1]} : vector<16xi32> to vector<1xi32>
      %squeeze3A_231 = vector.extract %slice3A_230[0] : i32 from vector<1xi32>
      %mul3A_232 = arith.constant 128 : i32
      %mul3A_233 = arith.muli %squeeze3A_231, %mul3A_232 : i32
      %multiple_of3A_234 = tpu.assume_multiple %mul3A_233, 128 : i32
      %dma_start3A_235 = arith.constant 12 : i32
      %dma_start3A_236 = arith.constant 0 : i32
      %dma_start3A_237 = arith.constant 0 : i32
      %dma_start3A_238 = tpu.memref_slice %arg6[%dma_start3A_235, %dma_start3A_236, %dma_start3A_237] : memref<16x32x128xf32, #tpu.memory_space<vmem>> -> memref<1x32x128xf32, #tpu.memory_space<vmem>>
      %dma_start3A_239 = tpu.memref_squeeze %dma_start3A_238 : memref<1x32x128xf32, #tpu.memory_space<vmem>> -> memref<32x128xf32, #tpu.memory_space<vmem>>
      %dma_start3A_240 = arith.constant 0 : i32
      %dma_start3A_241 = tpu.memref_slice %arg2[%dma_start3A_240, %multiple_of3A_234] : memref<32x1000000xf32, #tpu.memory_space<hbm>> -> memref<32x128xf32, #tpu.memory_space<hbm>>
      %dma_start3A_242 = arith.constant 0 : i32
      %dma_start3A_243 = arith.constant 0 : i32
      %dma_start3A_244 = tpu.memref_slice %arg6[%dma_start3A_235, %dma_start3A_242, %dma_start3A_243] : memref<16x32x128xf32, #tpu.memory_space<vmem>> -> memref<1x32x128xf32, #tpu.memory_space<vmem>>
      %dma_start3A_245 = tpu.memref_squeeze %dma_start3A_244 : memref<1x32x128xf32, #tpu.memory_space<vmem>> -> memref<32x128xf32, #tpu.memory_space<vmem>>
      %dma_start3A_246 = arith.constant 0 : i32
      %dma_start3A_247 = tpu.memref_slice %arg2[%dma_start3A_246, %multiple_of3A_234] : memref<32x1000000xf32, #tpu.memory_space<hbm>> -> memref<32x128xf32, #tpu.memory_space<hbm>>
      tpu.enqueue_dma source(%dma_start3A_247 : memref<32x128xf32, #tpu.memory_space<hbm>>) target(%dma_start3A_245 : memref<32x128xf32, #tpu.memory_space<vmem>>) target_semaphore(%arg8 : memref<!tpu.dma_semaphore, #tpu.memory_space<semaphore_mem>>)
      %slice3A_248 = vector.extract_strided_slice %shift_right_logical3A_15 {offsets = [13], sizes = [1], strides = [1]} : vector<16xi32> to vector<1xi32>
      %squeeze3A_249 = vector.extract %slice3A_248[0] : i32 from vector<1xi32>
      %mul3A_250 = arith.constant 128 : i32
      %mul3A_251 = arith.muli %squeeze3A_249, %mul3A_250 : i32
      %multiple_of3A_252 = tpu.assume_multiple %mul3A_251, 128 : i32
      %dma_start3A_253 = arith.constant 13 : i32
      %dma_start3A_254 = arith.constant 0 : i32
      %dma_start3A_255 = arith.constant 0 : i32
      %dma_start3A_256 = tpu.memref_slice %arg6[%dma_start3A_253, %dma_start3A_254, %dma_start3A_255] : memref<16x32x128xf32, #tpu.memory_space<vmem>> -> memref<1x32x128xf32, #tpu.memory_space<vmem>>
      %dma_start3A_257 = tpu.memref_squeeze %dma_start3A_256 : memref<1x32x128xf32, #tpu.memory_space<vmem>> -> memref<32x128xf32, #tpu.memory_space<vmem>>
      %dma_start3A_258 = arith.constant 0 : i32
      %dma_start3A_259 = tpu.memref_slice %arg2[%dma_start3A_258, %multiple_of3A_252] : memref<32x1000000xf32, #tpu.memory_space<hbm>> -> memref<32x128xf32, #tpu.memory_space<hbm>>
      %dma_start3A_260 = arith.constant 0 : i32
      %dma_start3A_261 = arith.constant 0 : i32
      %dma_start3A_262 = tpu.memref_slice %arg6[%dma_start3A_253, %dma_start3A_260, %dma_start3A_261] : memref<16x32x128xf32, #tpu.memory_space<vmem>> -> memref<1x32x128xf32, #tpu.memory_space<vmem>>
      %dma_start3A_263 = tpu.memref_squeeze %dma_start3A_262 : memref<1x32x128xf32, #tpu.memory_space<vmem>> -> memref<32x128xf32, #tpu.memory_space<vmem>>
      %dma_start3A_264 = arith.constant 0 : i32
      %dma_start3A_265 = tpu.memref_slice %arg2[%dma_start3A_264, %multiple_of3A_252] : memref<32x1000000xf32, #tpu.memory_space<hbm>> -> memref<32x128xf32, #tpu.memory_space<hbm>>
      tpu.enqueue_dma source(%dma_start3A_265 : memref<32x128xf32, #tpu.memory_space<hbm>>) target(%dma_start3A_263 : memref<32x128xf32, #tpu.memory_space<vmem>>) target_semaphore(%arg8 : memref<!tpu.dma_semaphore, #tpu.memory_space<semaphore_mem>>)
      %slice3A_266 = vector.extract_strided_slice %shift_right_logical3A_15 {offsets = [14], sizes = [1], strides = [1]} : vector<16xi32> to vector<1xi32>
      %squeeze3A_267 = vector.extract %slice3A_266[0] : i32 from vector<1xi32>
      %mul3A_268 = arith.constant 128 : i32
      %mul3A_269 = arith.muli %squeeze3A_267, %mul3A_268 : i32
      %multiple_of3A_270 = tpu.assume_multiple %mul3A_269, 128 : i32
      %dma_start3A_271 = arith.constant 14 : i32
      %dma_start3A_272 = arith.constant 0 : i32
      %dma_start3A_273 = arith.constant 0 : i32
      %dma_start3A_274 = tpu.memref_slice %arg6[%dma_start3A_271, %dma_start3A_272, %dma_start3A_273] : memref<16x32x128xf32, #tpu.memory_space<vmem>> -> memref<1x32x128xf32, #tpu.memory_space<vmem>>
      %dma_start3A_275 = tpu.memref_squeeze %dma_start3A_274 : memref<1x32x128xf32, #tpu.memory_space<vmem>> -> memref<32x128xf32, #tpu.memory_space<vmem>>
      %dma_start3A_276 = arith.constant 0 : i32
      %dma_start3A_277 = tpu.memref_slice %arg2[%dma_start3A_276, %multiple_of3A_270] : memref<32x1000000xf32, #tpu.memory_space<hbm>> -> memref<32x128xf32, #tpu.memory_space<hbm>>
      %dma_start3A_278 = arith.constant 0 : i32
      %dma_start3A_279 = arith.constant 0 : i32
      %dma_start3A_280 = tpu.memref_slice %arg6[%dma_start3A_271, %dma_start3A_278, %dma_start3A_279] : memref<16x32x128xf32, #tpu.memory_space<vmem>> -> memref<1x32x128xf32, #tpu.memory_space<vmem>>
      %dma_start3A_281 = tpu.memref_squeeze %dma_start3A_280 : memref<1x32x128xf32, #tpu.memory_space<vmem>> -> memref<32x128xf32, #tpu.memory_space<vmem>>
      %dma_start3A_282 = arith.constant 0 : i32
      %dma_start3A_283 = tpu.memref_slice %arg2[%dma_start3A_282, %multiple_of3A_270] : memref<32x1000000xf32, #tpu.memory_space<hbm>> -> memref<32x128xf32, #tpu.memory_space<hbm>>
      tpu.enqueue_dma source(%dma_start3A_283 : memref<32x128xf32, #tpu.memory_space<hbm>>) target(%dma_start3A_281 : memref<32x128xf32, #tpu.memory_space<vmem>>) target_semaphore(%arg8 : memref<!tpu.dma_semaphore, #tpu.memory_space<semaphore_mem>>)
      %slice3A_284 = vector.extract_strided_slice %shift_right_logical3A_15 {offsets = [15], sizes = [1], strides = [1]} : vector<16xi32> to vector<1xi32>
      %squeeze3A_285 = vector.extract %slice3A_284[0] : i32 from vector<1xi32>
      %mul3A_286 = arith.constant 128 : i32
      %mul3A_287 = arith.muli %squeeze3A_285, %mul3A_286 : i32
      %multiple_of3A_288 = tpu.assume_multiple %mul3A_287, 128 : i32
      %dma_start3A_289 = arith.constant 15 : i32
      %dma_start3A_290 = arith.constant 0 : i32
      %dma_start3A_291 = arith.constant 0 : i32
      %dma_start3A_292 = tpu.memref_slice %arg6[%dma_start3A_289, %dma_start3A_290, %dma_start3A_291] : memref<16x32x128xf32, #tpu.memory_space<vmem>> -> memref<1x32x128xf32, #tpu.memory_space<vmem>>
      %dma_start3A_293 = tpu.memref_squeeze %dma_start3A_292 : memref<1x32x128xf32, #tpu.memory_space<vmem>> -> memref<32x128xf32, #tpu.memory_space<vmem>>
      %dma_start3A_294 = arith.constant 0 : i32
      %dma_start3A_295 = tpu.memref_slice %arg2[%dma_start3A_294, %multiple_of3A_288] : memref<32x1000000xf32, #tpu.memory_space<hbm>> -> memref<32x128xf32, #tpu.memory_space<hbm>>
      %dma_start3A_296 = arith.constant 0 : i32
      %dma_start3A_297 = arith.constant 0 : i32
      %dma_start3A_298 = tpu.memref_slice %arg6[%dma_start3A_289, %dma_start3A_296, %dma_start3A_297] : memref<16x32x128xf32, #tpu.memory_space<vmem>> -> memref<1x32x128xf32, #tpu.memory_space<vmem>>
      %dma_start3A_299 = tpu.memref_squeeze %dma_start3A_298 : memref<1x32x128xf32, #tpu.memory_space<vmem>> -> memref<32x128xf32, #tpu.memory_space<vmem>>
      %dma_start3A_300 = arith.constant 0 : i32
      %dma_start3A_301 = tpu.memref_slice %arg2[%dma_start3A_300, %multiple_of3A_288] : memref<32x1000000xf32, #tpu.memory_space<hbm>> -> memref<32x128xf32, #tpu.memory_space<hbm>>
      tpu.enqueue_dma source(%dma_start3A_301 : memref<32x128xf32, #tpu.memory_space<hbm>>) target(%dma_start3A_299 : memref<32x128xf32, #tpu.memory_space<vmem>>) target_semaphore(%arg8 : memref<!tpu.dma_semaphore, #tpu.memory_space<semaphore_mem>>)
      %dma_wait3A = arith.constant 0 : i32
      %dma_wait3A_302 = arith.constant 0 : i32
      %dma_wait3A_303 = arith.constant 0 : i32
      %dma_wait3A_304 = tpu.memref_slice %arg6[%dma_wait3A, %dma_wait3A_302, %dma_wait3A_303] : memref<16x32x128xf32, #tpu.memory_space<vmem>> -> memref<1x32x128xf32, #tpu.memory_space<vmem>>
      %dma_wait3A_305 = tpu.memref_squeeze %dma_wait3A_304 : memref<1x32x128xf32, #tpu.memory_space<vmem>> -> memref<32x128xf32, #tpu.memory_space<vmem>>
      %dma_wait3A_306 = arith.constant 0 : i32
      %dma_wait3A_307 = tpu.memref_slice %arg2[%dma_wait3A_306, %multiple_of3A] : memref<32x1000000xf32, #tpu.memory_space<hbm>> -> memref<32x128xf32, #tpu.memory_space<hbm>>
      %dma_wait3A_308 = arith.constant 0 : i32
      %dma_wait3A_309 = arith.constant 0 : i32
      %dma_wait3A_310 = tpu.memref_slice %arg6[%dma_wait3A, %dma_wait3A_308, %dma_wait3A_309] : memref<16x32x128xf32, #tpu.memory_space<vmem>> -> memref<1x32x128xf32, #tpu.memory_space<vmem>>
      %dma_wait3A_311 = tpu.memref_squeeze %dma_wait3A_310 : memref<1x32x128xf32, #tpu.memory_space<vmem>> -> memref<32x128xf32, #tpu.memory_space<vmem>>
      %dma_wait3A_312 = arith.constant 0 : i32
      %dma_wait3A_313 = tpu.memref_slice %arg2[%dma_wait3A_312, %multiple_of3A] : memref<32x1000000xf32, #tpu.memory_space<hbm>> -> memref<32x128xf32, #tpu.memory_space<hbm>>
      tpu.wait_dma2 semaphore(%arg8 : memref<!tpu.dma_semaphore, #tpu.memory_space<semaphore_mem>>) src(%dma_wait3A_313 : memref<32x128xf32, #tpu.memory_space<hbm>>) dst(%dma_wait3A_311 : memref<32x128xf32, #tpu.memory_space<vmem>>)
      %dma_wait3A_314 = arith.constant 1 : i32
      %dma_wait3A_315 = arith.constant 0 : i32
      %dma_wait3A_316 = arith.constant 0 : i32
      %dma_wait3A_317 = tpu.memref_slice %arg6[%dma_wait3A_314, %dma_wait3A_315, %dma_wait3A_316] : memref<16x32x128xf32, #tpu.memory_space<vmem>> -> memref<1x32x128xf32, #tpu.memory_space<vmem>>
      %dma_wait3A_318 = tpu.memref_squeeze %dma_wait3A_317 : memref<1x32x128xf32, #tpu.memory_space<vmem>> -> memref<32x128xf32, #tpu.memory_space<vmem>>
      %dma_wait3A_319 = arith.constant 0 : i32
      %dma_wait3A_320 = tpu.memref_slice %arg2[%dma_wait3A_319, %multiple_of3A_36] : memref<32x1000000xf32, #tpu.memory_space<hbm>> -> memref<32x128xf32, #tpu.memory_space<hbm>>
      %dma_wait3A_321 = arith.constant 0 : i32
      %dma_wait3A_322 = arith.constant 0 : i32
      %dma_wait3A_323 = tpu.memref_slice %arg6[%dma_wait3A_314, %dma_wait3A_321, %dma_wait3A_322] : memref<16x32x128xf32, #tpu.memory_space<vmem>> -> memref<1x32x128xf32, #tpu.memory_space<vmem>>
      %dma_wait3A_324 = tpu.memref_squeeze %dma_wait3A_323 : memref<1x32x128xf32, #tpu.memory_space<vmem>> -> memref<32x128xf32, #tpu.memory_space<vmem>>
      %dma_wait3A_325 = arith.constant 0 : i32
      %dma_wait3A_326 = tpu.memref_slice %arg2[%dma_wait3A_325, %multiple_of3A_36] : memref<32x1000000xf32, #tpu.memory_space<hbm>> -> memref<32x128xf32, #tpu.memory_space<hbm>>
      tpu.wait_dma2 semaphore(%arg8 : memref<!tpu.dma_semaphore, #tpu.memory_space<semaphore_mem>>) src(%dma_wait3A_326 : memref<32x128xf32, #tpu.memory_space<hbm>>) dst(%dma_wait3A_324 : memref<32x128xf32, #tpu.memory_space<vmem>>)
      %dma_wait3A_327 = arith.constant 2 : i32
      %dma_wait3A_328 = arith.constant 0 : i32
      %dma_wait3A_329 = arith.constant 0 : i32
      %dma_wait3A_330 = tpu.memref_slice %arg6[%dma_wait3A_327, %dma_wait3A_328, %dma_wait3A_329] : memref<16x32x128xf32, #tpu.memory_space<vmem>> -> memref<1x32x128xf32, #tpu.memory_space<vmem>>
      %dma_wait3A_331 = tpu.memref_squeeze %dma_wait3A_330 : memref<1x32x128xf32, #tpu.memory_space<vmem>> -> memref<32x128xf32, #tpu.memory_space<vmem>>
      %dma_wait3A_332 = arith.constant 0 : i32
      %dma_wait3A_333 = tpu.memref_slice %arg2[%dma_wait3A_332, %multiple_of3A_54] : memref<32x1000000xf32, #tpu.memory_space<hbm>> -> memref<32x128xf32, #tpu.memory_space<hbm>>
      %dma_wait3A_334 = arith.constant 0 : i32
      %dma_wait3A_335 = arith.constant 0 : i32
      %dma_wait3A_336 = tpu.memref_slice %arg6[%dma_wait3A_327, %dma_wait3A_334, %dma_wait3A_335] : memref<16x32x128xf32, #tpu.memory_space<vmem>> -> memref<1x32x128xf32, #tpu.memory_space<vmem>>
      %dma_wait3A_337 = tpu.memref_squeeze %dma_wait3A_336 : memref<1x32x128xf32, #tpu.memory_space<vmem>> -> memref<32x128xf32, #tpu.memory_space<vmem>>
      %dma_wait3A_338 = arith.constant 0 : i32
      %dma_wait3A_339 = tpu.memref_slice %arg2[%dma_wait3A_338, %multiple_of3A_54] : memref<32x1000000xf32, #tpu.memory_space<hbm>> -> memref<32x128xf32, #tpu.memory_space<hbm>>
      tpu.wait_dma2 semaphore(%arg8 : memref<!tpu.dma_semaphore, #tpu.memory_space<semaphore_mem>>) src(%dma_wait3A_339 : memref<32x128xf32, #tpu.memory_space<hbm>>) dst(%dma_wait3A_337 : memref<32x128xf32, #tpu.memory_space<vmem>>)
      %dma_wait3A_340 = arith.constant 3 : i32
      %dma_wait3A_341 = arith.constant 0 : i32
      %dma_wait3A_342 = arith.constant 0 : i32
      %dma_wait3A_343 = tpu.memref_slice %arg6[%dma_wait3A_340, %dma_wait3A_341, %dma_wait3A_342] : memref<16x32x128xf32, #tpu.memory_space<vmem>> -> memref<1x32x128xf32, #tpu.memory_space<vmem>>
      %dma_wait3A_344 = tpu.memref_squeeze %dma_wait3A_343 : memref<1x32x128xf32, #tpu.memory_space<vmem>> -> memref<32x128xf32, #tpu.memory_space<vmem>>
      %dma_wait3A_345 = arith.constant 0 : i32
      %dma_wait3A_346 = tpu.memref_slice %arg2[%dma_wait3A_345, %multiple_of3A_72] : memref<32x1000000xf32, #tpu.memory_space<hbm>> -> memref<32x128xf32, #tpu.memory_space<hbm>>
      %dma_wait3A_347 = arith.constant 0 : i32
      %dma_wait3A_348 = arith.constant 0 : i32
      %dma_wait3A_349 = tpu.memref_slice %arg6[%dma_wait3A_340, %dma_wait3A_347, %dma_wait3A_348] : memref<16x32x128xf32, #tpu.memory_space<vmem>> -> memref<1x32x128xf32, #tpu.memory_space<vmem>>
      %dma_wait3A_350 = tpu.memref_squeeze %dma_wait3A_349 : memref<1x32x128xf32, #tpu.memory_space<vmem>> -> memref<32x128xf32, #tpu.memory_space<vmem>>
      %dma_wait3A_351 = arith.constant 0 : i32
      %dma_wait3A_352 = tpu.memref_slice %arg2[%dma_wait3A_351, %multiple_of3A_72] : memref<32x1000000xf32, #tpu.memory_space<hbm>> -> memref<32x128xf32, #tpu.memory_space<hbm>>
      tpu.wait_dma2 semaphore(%arg8 : memref<!tpu.dma_semaphore, #tpu.memory_space<semaphore_mem>>) src(%dma_wait3A_352 : memref<32x128xf32, #tpu.memory_space<hbm>>) dst(%dma_wait3A_350 : memref<32x128xf32, #tpu.memory_space<vmem>>)
      %dma_wait3A_353 = arith.constant 4 : i32
      %dma_wait3A_354 = arith.constant 0 : i32
      %dma_wait3A_355 = arith.constant 0 : i32
      %dma_wait3A_356 = tpu.memref_slice %arg6[%dma_wait3A_353, %dma_wait3A_354, %dma_wait3A_355] : memref<16x32x128xf32, #tpu.memory_space<vmem>> -> memref<1x32x128xf32, #tpu.memory_space<vmem>>
      %dma_wait3A_357 = tpu.memref_squeeze %dma_wait3A_356 : memref<1x32x128xf32, #tpu.memory_space<vmem>> -> memref<32x128xf32, #tpu.memory_space<vmem>>
      %dma_wait3A_358 = arith.constant 0 : i32
      %dma_wait3A_359 = tpu.memref_slice %arg2[%dma_wait3A_358, %multiple_of3A_90] : memref<32x1000000xf32, #tpu.memory_space<hbm>> -> memref<32x128xf32, #tpu.memory_space<hbm>>
      %dma_wait3A_360 = arith.constant 0 : i32
      %dma_wait3A_361 = arith.constant 0 : i32
      %dma_wait3A_362 = tpu.memref_slice %arg6[%dma_wait3A_353, %dma_wait3A_360, %dma_wait3A_361] : memref<16x32x128xf32, #tpu.memory_space<vmem>> -> memref<1x32x128xf32, #tpu.memory_space<vmem>>
      %dma_wait3A_363 = tpu.memref_squeeze %dma_wait3A_362 : memref<1x32x128xf32, #tpu.memory_space<vmem>> -> memref<32x128xf32, #tpu.memory_space<vmem>>
      %dma_wait3A_364 = arith.constant 0 : i32
      %dma_wait3A_365 = tpu.memref_slice %arg2[%dma_wait3A_364, %multiple_of3A_90] : memref<32x1000000xf32, #tpu.memory_space<hbm>> -> memref<32x128xf32, #tpu.memory_space<hbm>>
      tpu.wait_dma2 semaphore(%arg8 : memref<!tpu.dma_semaphore, #tpu.memory_space<semaphore_mem>>) src(%dma_wait3A_365 : memref<32x128xf32, #tpu.memory_space<hbm>>) dst(%dma_wait3A_363 : memref<32x128xf32, #tpu.memory_space<vmem>>)
      %dma_wait3A_366 = arith.constant 5 : i32
      %dma_wait3A_367 = arith.constant 0 : i32
      %dma_wait3A_368 = arith.constant 0 : i32
      %dma_wait3A_369 = tpu.memref_slice %arg6[%dma_wait3A_366, %dma_wait3A_367, %dma_wait3A_368] : memref<16x32x128xf32, #tpu.memory_space<vmem>> -> memref<1x32x128xf32, #tpu.memory_space<vmem>>
      %dma_wait3A_370 = tpu.memref_squeeze %dma_wait3A_369 : memref<1x32x128xf32, #tpu.memory_space<vmem>> -> memref<32x128xf32, #tpu.memory_space<vmem>>
      %dma_wait3A_371 = arith.constant 0 : i32
      %dma_wait3A_372 = tpu.memref_slice %arg2[%dma_wait3A_371, %multiple_of3A_108] : memref<32x1000000xf32, #tpu.memory_space<hbm>> -> memref<32x128xf32, #tpu.memory_space<hbm>>
      %dma_wait3A_373 = arith.constant 0 : i32
      %dma_wait3A_374 = arith.constant 0 : i32
      %dma_wait3A_375 = tpu.memref_slice %arg6[%dma_wait3A_366, %dma_wait3A_373, %dma_wait3A_374] : memref<16x32x128xf32, #tpu.memory_space<vmem>> -> memref<1x32x128xf32, #tpu.memory_space<vmem>>
      %dma_wait3A_376 = tpu.memref_squeeze %dma_wait3A_375 : memref<1x32x128xf32, #tpu.memory_space<vmem>> -> memref<32x128xf32, #tpu.memory_space<vmem>>
      %dma_wait3A_377 = arith.constant 0 : i32
      %dma_wait3A_378 = tpu.memref_slice %arg2[%dma_wait3A_377, %multiple_of3A_108] : memref<32x1000000xf32, #tpu.memory_space<hbm>> -> memref<32x128xf32, #tpu.memory_space<hbm>>
      tpu.wait_dma2 semaphore(%arg8 : memref<!tpu.dma_semaphore, #tpu.memory_space<semaphore_mem>>) src(%dma_wait3A_378 : memref<32x128xf32, #tpu.memory_space<hbm>>) dst(%dma_wait3A_376 : memref<32x128xf32, #tpu.memory_space<vmem>>)
      %dma_wait3A_379 = arith.constant 6 : i32
      %dma_wait3A_380 = arith.constant 0 : i32
      %dma_wait3A_381 = arith.constant 0 : i32
      %dma_wait3A_382 = tpu.memref_slice %arg6[%dma_wait3A_379, %dma_wait3A_380, %dma_wait3A_381] : memref<16x32x128xf32, #tpu.memory_space<vmem>> -> memref<1x32x128xf32, #tpu.memory_space<vmem>>
      %dma_wait3A_383 = tpu.memref_squeeze %dma_wait3A_382 : memref<1x32x128xf32, #tpu.memory_space<vmem>> -> memref<32x128xf32, #tpu.memory_space<vmem>>
      %dma_wait3A_384 = arith.constant 0 : i32
      %dma_wait3A_385 = tpu.memref_slice %arg2[%dma_wait3A_384, %multiple_of3A_126] : memref<32x1000000xf32, #tpu.memory_space<hbm>> -> memref<32x128xf32, #tpu.memory_space<hbm>>
      %dma_wait3A_386 = arith.constant 0 : i32
      %dma_wait3A_387 = arith.constant 0 : i32
      %dma_wait3A_388 = tpu.memref_slice %arg6[%dma_wait3A_379, %dma_wait3A_386, %dma_wait3A_387] : memref<16x32x128xf32, #tpu.memory_space<vmem>> -> memref<1x32x128xf32, #tpu.memory_space<vmem>>
      %dma_wait3A_389 = tpu.memref_squeeze %dma_wait3A_388 : memref<1x32x128xf32, #tpu.memory_space<vmem>> -> memref<32x128xf32, #tpu.memory_space<vmem>>
      %dma_wait3A_390 = arith.constant 0 : i32
      %dma_wait3A_391 = tpu.memref_slice %arg2[%dma_wait3A_390, %multiple_of3A_126] : memref<32x1000000xf32, #tpu.memory_space<hbm>> -> memref<32x128xf32, #tpu.memory_space<hbm>>
      tpu.wait_dma2 semaphore(%arg8 : memref<!tpu.dma_semaphore, #tpu.memory_space<semaphore_mem>>) src(%dma_wait3A_391 : memref<32x128xf32, #tpu.memory_space<hbm>>) dst(%dma_wait3A_389 : memref<32x128xf32, #tpu.memory_space<vmem>>)
      %dma_wait3A_392 = arith.constant 7 : i32
      %dma_wait3A_393 = arith.constant 0 : i32
      %dma_wait3A_394 = arith.constant 0 : i32
      %dma_wait3A_395 = tpu.memref_slice %arg6[%dma_wait3A_392, %dma_wait3A_393, %dma_wait3A_394] : memref<16x32x128xf32, #tpu.memory_space<vmem>> -> memref<1x32x128xf32, #tpu.memory_space<vmem>>
      %dma_wait3A_396 = tpu.memref_squeeze %dma_wait3A_395 : memref<1x32x128xf32, #tpu.memory_space<vmem>> -> memref<32x128xf32, #tpu.memory_space<vmem>>
      %dma_wait3A_397 = arith.constant 0 : i32
      %dma_wait3A_398 = tpu.memref_slice %arg2[%dma_wait3A_397, %multiple_of3A_144] : memref<32x1000000xf32, #tpu.memory_space<hbm>> -> memref<32x128xf32, #tpu.memory_space<hbm>>
      %dma_wait3A_399 = arith.constant 0 : i32
      %dma_wait3A_400 = arith.constant 0 : i32
      %dma_wait3A_401 = tpu.memref_slice %arg6[%dma_wait3A_392, %dma_wait3A_399, %dma_wait3A_400] : memref<16x32x128xf32, #tpu.memory_space<vmem>> -> memref<1x32x128xf32, #tpu.memory_space<vmem>>
      %dma_wait3A_402 = tpu.memref_squeeze %dma_wait3A_401 : memref<1x32x128xf32, #tpu.memory_space<vmem>> -> memref<32x128xf32, #tpu.memory_space<vmem>>
      %dma_wait3A_403 = arith.constant 0 : i32
      %dma_wait3A_404 = tpu.memref_slice %arg2[%dma_wait3A_403, %multiple_of3A_144] : memref<32x1000000xf32, #tpu.memory_space<hbm>> -> memref<32x128xf32, #tpu.memory_space<hbm>>
      tpu.wait_dma2 semaphore(%arg8 : memref<!tpu.dma_semaphore, #tpu.memory_space<semaphore_mem>>) src(%dma_wait3A_404 : memref<32x128xf32, #tpu.memory_space<hbm>>) dst(%dma_wait3A_402 : memref<32x128xf32, #tpu.memory_space<vmem>>)
      %dma_wait3A_405 = arith.constant 8 : i32
      %dma_wait3A_406 = arith.constant 0 : i32
      %dma_wait3A_407 = arith.constant 0 : i32
      %dma_wait3A_408 = tpu.memref_slice %arg6[%dma_wait3A_405, %dma_wait3A_406, %dma_wait3A_407] : memref<16x32x128xf32, #tpu.memory_space<vmem>> -> memref<1x32x128xf32, #tpu.memory_space<vmem>>
      %dma_wait3A_409 = tpu.memref_squeeze %dma_wait3A_408 : memref<1x32x128xf32, #tpu.memory_space<vmem>> -> memref<32x128xf32, #tpu.memory_space<vmem>>
      %dma_wait3A_410 = arith.constant 0 : i32
      %dma_wait3A_411 = tpu.memref_slice %arg2[%dma_wait3A_410, %multiple_of3A_162] : memref<32x1000000xf32, #tpu.memory_space<hbm>> -> memref<32x128xf32, #tpu.memory_space<hbm>>
      %dma_wait3A_412 = arith.constant 0 : i32
      %dma_wait3A_413 = arith.constant 0 : i32
      %dma_wait3A_414 = tpu.memref_slice %arg6[%dma_wait3A_405, %dma_wait3A_412, %dma_wait3A_413] : memref<16x32x128xf32, #tpu.memory_space<vmem>> -> memref<1x32x128xf32, #tpu.memory_space<vmem>>
      %dma_wait3A_415 = tpu.memref_squeeze %dma_wait3A_414 : memref<1x32x128xf32, #tpu.memory_space<vmem>> -> memref<32x128xf32, #tpu.memory_space<vmem>>
      %dma_wait3A_416 = arith.constant 0 : i32
      %dma_wait3A_417 = tpu.memref_slice %arg2[%dma_wait3A_416, %multiple_of3A_162] : memref<32x1000000xf32, #tpu.memory_space<hbm>> -> memref<32x128xf32, #tpu.memory_space<hbm>>
      tpu.wait_dma2 semaphore(%arg8 : memref<!tpu.dma_semaphore, #tpu.memory_space<semaphore_mem>>) src(%dma_wait3A_417 : memref<32x128xf32, #tpu.memory_space<hbm>>) dst(%dma_wait3A_415 : memref<32x128xf32, #tpu.memory_space<vmem>>)
      %dma_wait3A_418 = arith.constant 9 : i32
      %dma_wait3A_419 = arith.constant 0 : i32
      %dma_wait3A_420 = arith.constant 0 : i32
      %dma_wait3A_421 = tpu.memref_slice %arg6[%dma_wait3A_418, %dma_wait3A_419, %dma_wait3A_420] : memref<16x32x128xf32, #tpu.memory_space<vmem>> -> memref<1x32x128xf32, #tpu.memory_space<vmem>>
      %dma_wait3A_422 = tpu.memref_squeeze %dma_wait3A_421 : memref<1x32x128xf32, #tpu.memory_space<vmem>> -> memref<32x128xf32, #tpu.memory_space<vmem>>
      %dma_wait3A_423 = arith.constant 0 : i32
      %dma_wait3A_424 = tpu.memref_slice %arg2[%dma_wait3A_423, %multiple_of3A_180] : memref<32x1000000xf32, #tpu.memory_space<hbm>> -> memref<32x128xf32, #tpu.memory_space<hbm>>
      %dma_wait3A_425 = arith.constant 0 : i32
      %dma_wait3A_426 = arith.constant 0 : i32
      %dma_wait3A_427 = tpu.memref_slice %arg6[%dma_wait3A_418, %dma_wait3A_425, %dma_wait3A_426] : memref<16x32x128xf32, #tpu.memory_space<vmem>> -> memref<1x32x128xf32, #tpu.memory_space<vmem>>
      %dma_wait3A_428 = tpu.memref_squeeze %dma_wait3A_427 : memref<1x32x128xf32, #tpu.memory_space<vmem>> -> memref<32x128xf32, #tpu.memory_space<vmem>>
      %dma_wait3A_429 = arith.constant 0 : i32
      %dma_wait3A_430 = tpu.memref_slice %arg2[%dma_wait3A_429, %multiple_of3A_180] : memref<32x1000000xf32, #tpu.memory_space<hbm>> -> memref<32x128xf32, #tpu.memory_space<hbm>>
      tpu.wait_dma2 semaphore(%arg8 : memref<!tpu.dma_semaphore, #tpu.memory_space<semaphore_mem>>) src(%dma_wait3A_430 : memref<32x128xf32, #tpu.memory_space<hbm>>) dst(%dma_wait3A_428 : memref<32x128xf32, #tpu.memory_space<vmem>>)
      %dma_wait3A_431 = arith.constant 10 : i32
      %dma_wait3A_432 = arith.constant 0 : i32
      %dma_wait3A_433 = arith.constant 0 : i32
      %dma_wait3A_434 = tpu.memref_slice %arg6[%dma_wait3A_431, %dma_wait3A_432, %dma_wait3A_433] : memref<16x32x128xf32, #tpu.memory_space<vmem>> -> memref<1x32x128xf32, #tpu.memory_space<vmem>>
      %dma_wait3A_435 = tpu.memref_squeeze %dma_wait3A_434 : memref<1x32x128xf32, #tpu.memory_space<vmem>> -> memref<32x128xf32, #tpu.memory_space<vmem>>
      %dma_wait3A_436 = arith.constant 0 : i32
      %dma_wait3A_437 = tpu.memref_slice %arg2[%dma_wait3A_436, %multiple_of3A_198] : memref<32x1000000xf32, #tpu.memory_space<hbm>> -> memref<32x128xf32, #tpu.memory_space<hbm>>
      %dma_wait3A_438 = arith.constant 0 : i32
      %dma_wait3A_439 = arith.constant 0 : i32
      %dma_wait3A_440 = tpu.memref_slice %arg6[%dma_wait3A_431, %dma_wait3A_438, %dma_wait3A_439] : memref<16x32x128xf32, #tpu.memory_space<vmem>> -> memref<1x32x128xf32, #tpu.memory_space<vmem>>
      %dma_wait3A_441 = tpu.memref_squeeze %dma_wait3A_440 : memref<1x32x128xf32, #tpu.memory_space<vmem>> -> memref<32x128xf32, #tpu.memory_space<vmem>>
      %dma_wait3A_442 = arith.constant 0 : i32
      %dma_wait3A_443 = tpu.memref_slice %arg2[%dma_wait3A_442, %multiple_of3A_198] : memref<32x1000000xf32, #tpu.memory_space<hbm>> -> memref<32x128xf32, #tpu.memory_space<hbm>>
      tpu.wait_dma2 semaphore(%arg8 : memref<!tpu.dma_semaphore, #tpu.memory_space<semaphore_mem>>) src(%dma_wait3A_443 : memref<32x128xf32, #tpu.memory_space<hbm>>) dst(%dma_wait3A_441 : memref<32x128xf32, #tpu.memory_space<vmem>>)
      %dma_wait3A_444 = arith.constant 11 : i32
      %dma_wait3A_445 = arith.constant 0 : i32
      %dma_wait3A_446 = arith.constant 0 : i32
      %dma_wait3A_447 = tpu.memref_slice %arg6[%dma_wait3A_444, %dma_wait3A_445, %dma_wait3A_446] : memref<16x32x128xf32, #tpu.memory_space<vmem>> -> memref<1x32x128xf32, #tpu.memory_space<vmem>>
      %dma_wait3A_448 = tpu.memref_squeeze %dma_wait3A_447 : memref<1x32x128xf32, #tpu.memory_space<vmem>> -> memref<32x128xf32, #tpu.memory_space<vmem>>
      %dma_wait3A_449 = arith.constant 0 : i32
      %dma_wait3A_450 = tpu.memref_slice %arg2[%dma_wait3A_449, %multiple_of3A_216] : memref<32x1000000xf32, #tpu.memory_space<hbm>> -> memref<32x128xf32, #tpu.memory_space<hbm>>
      %dma_wait3A_451 = arith.constant 0 : i32
      %dma_wait3A_452 = arith.constant 0 : i32
      %dma_wait3A_453 = tpu.memref_slice %arg6[%dma_wait3A_444, %dma_wait3A_451, %dma_wait3A_452] : memref<16x32x128xf32, #tpu.memory_space<vmem>> -> memref<1x32x128xf32, #tpu.memory_space<vmem>>
      %dma_wait3A_454 = tpu.memref_squeeze %dma_wait3A_453 : memref<1x32x128xf32, #tpu.memory_space<vmem>> -> memref<32x128xf32, #tpu.memory_space<vmem>>
      %dma_wait3A_455 = arith.constant 0 : i32
      %dma_wait3A_456 = tpu.memref_slice %arg2[%dma_wait3A_455, %multiple_of3A_216] : memref<32x1000000xf32, #tpu.memory_space<hbm>> -> memref<32x128xf32, #tpu.memory_space<hbm>>
      tpu.wait_dma2 semaphore(%arg8 : memref<!tpu.dma_semaphore, #tpu.memory_space<semaphore_mem>>) src(%dma_wait3A_456 : memref<32x128xf32, #tpu.memory_space<hbm>>) dst(%dma_wait3A_454 : memref<32x128xf32, #tpu.memory_space<vmem>>)
      %dma_wait3A_457 = arith.constant 12 : i32
      %dma_wait3A_458 = arith.constant 0 : i32
      %dma_wait3A_459 = arith.constant 0 : i32
      %dma_wait3A_460 = tpu.memref_slice %arg6[%dma_wait3A_457, %dma_wait3A_458, %dma_wait3A_459] : memref<16x32x128xf32, #tpu.memory_space<vmem>> -> memref<1x32x128xf32, #tpu.memory_space<vmem>>
      %dma_wait3A_461 = tpu.memref_squeeze %dma_wait3A_460 : memref<1x32x128xf32, #tpu.memory_space<vmem>> -> memref<32x128xf32, #tpu.memory_space<vmem>>
      %dma_wait3A_462 = arith.constant 0 : i32
      %dma_wait3A_463 = tpu.memref_slice %arg2[%dma_wait3A_462, %multiple_of3A_234] : memref<32x1000000xf32, #tpu.memory_space<hbm>> -> memref<32x128xf32, #tpu.memory_space<hbm>>
      %dma_wait3A_464 = arith.constant 0 : i32
      %dma_wait3A_465 = arith.constant 0 : i32
      %dma_wait3A_466 = tpu.memref_slice %arg6[%dma_wait3A_457, %dma_wait3A_464, %dma_wait3A_465] : memref<16x32x128xf32, #tpu.memory_space<vmem>> -> memref<1x32x128xf32, #tpu.memory_space<vmem>>
      %dma_wait3A_467 = tpu.memref_squeeze %dma_wait3A_466 : memref<1x32x128xf32, #tpu.memory_space<vmem>> -> memref<32x128xf32, #tpu.memory_space<vmem>>
      %dma_wait3A_468 = arith.constant 0 : i32
      %dma_wait3A_469 = tpu.memref_slice %arg2[%dma_wait3A_468, %multiple_of3A_234] : memref<32x1000000xf32, #tpu.memory_space<hbm>> -> memref<32x128xf32, #tpu.memory_space<hbm>>
      tpu.wait_dma2 semaphore(%arg8 : memref<!tpu.dma_semaphore, #tpu.memory_space<semaphore_mem>>) src(%dma_wait3A_469 : memref<32x128xf32, #tpu.memory_space<hbm>>) dst(%dma_wait3A_467 : memref<32x128xf32, #tpu.memory_space<vmem>>)
      %dma_wait3A_470 = arith.constant 13 : i32
      %dma_wait3A_471 = arith.constant 0 : i32
      %dma_wait3A_472 = arith.constant 0 : i32
      %dma_wait3A_473 = tpu.memref_slice %arg6[%dma_wait3A_470, %dma_wait3A_471, %dma_wait3A_472] : memref<16x32x128xf32, #tpu.memory_space<vmem>> -> memref<1x32x128xf32, #tpu.memory_space<vmem>>
      %dma_wait3A_474 = tpu.memref_squeeze %dma_wait3A_473 : memref<1x32x128xf32, #tpu.memory_space<vmem>> -> memref<32x128xf32, #tpu.memory_space<vmem>>
      %dma_wait3A_475 = arith.constant 0 : i32
      %dma_wait3A_476 = tpu.memref_slice %arg2[%dma_wait3A_475, %multiple_of3A_252] : memref<32x1000000xf32, #tpu.memory_space<hbm>> -> memref<32x128xf32, #tpu.memory_space<hbm>>
      %dma_wait3A_477 = arith.constant 0 : i32
      %dma_wait3A_478 = arith.constant 0 : i32
      %dma_wait3A_479 = tpu.memref_slice %arg6[%dma_wait3A_470, %dma_wait3A_477, %dma_wait3A_478] : memref<16x32x128xf32, #tpu.memory_space<vmem>> -> memref<1x32x128xf32, #tpu.memory_space<vmem>>
      %dma_wait3A_480 = tpu.memref_squeeze %dma_wait3A_479 : memref<1x32x128xf32, #tpu.memory_space<vmem>> -> memref<32x128xf32, #tpu.memory_space<vmem>>
      %dma_wait3A_481 = arith.constant 0 : i32
      %dma_wait3A_482 = tpu.memref_slice %arg2[%dma_wait3A_481, %multiple_of3A_252] : memref<32x1000000xf32, #tpu.memory_space<hbm>> -> memref<32x128xf32, #tpu.memory_space<hbm>>
      tpu.wait_dma2 semaphore(%arg8 : memref<!tpu.dma_semaphore, #tpu.memory_space<semaphore_mem>>) src(%dma_wait3A_482 : memref<32x128xf32, #tpu.memory_space<hbm>>) dst(%dma_wait3A_480 : memref<32x128xf32, #tpu.memory_space<vmem>>)
      %dma_wait3A_483 = arith.constant 14 : i32
      %dma_wait3A_484 = arith.constant 0 : i32
      %dma_wait3A_485 = arith.constant 0 : i32
      %dma_wait3A_486 = tpu.memref_slice %arg6[%dma_wait3A_483, %dma_wait3A_484, %dma_wait3A_485] : memref<16x32x128xf32, #tpu.memory_space<vmem>> -> memref<1x32x128xf32, #tpu.memory_space<vmem>>
      %dma_wait3A_487 = tpu.memref_squeeze %dma_wait3A_486 : memref<1x32x128xf32, #tpu.memory_space<vmem>> -> memref<32x128xf32, #tpu.memory_space<vmem>>
      %dma_wait3A_488 = arith.constant 0 : i32
      %dma_wait3A_489 = tpu.memref_slice %arg2[%dma_wait3A_488, %multiple_of3A_270] : memref<32x1000000xf32, #tpu.memory_space<hbm>> -> memref<32x128xf32, #tpu.memory_space<hbm>>
      %dma_wait3A_490 = arith.constant 0 : i32
      %dma_wait3A_491 = arith.constant 0 : i32
      %dma_wait3A_492 = tpu.memref_slice %arg6[%dma_wait3A_483, %dma_wait3A_490, %dma_wait3A_491] : memref<16x32x128xf32, #tpu.memory_space<vmem>> -> memref<1x32x128xf32, #tpu.memory_space<vmem>>
      %dma_wait3A_493 = tpu.memref_squeeze %dma_wait3A_492 : memref<1x32x128xf32, #tpu.memory_space<vmem>> -> memref<32x128xf32, #tpu.memory_space<vmem>>
      %dma_wait3A_494 = arith.constant 0 : i32
      %dma_wait3A_495 = tpu.memref_slice %arg2[%dma_wait3A_494, %multiple_of3A_270] : memref<32x1000000xf32, #tpu.memory_space<hbm>> -> memref<32x128xf32, #tpu.memory_space<hbm>>
      tpu.wait_dma2 semaphore(%arg8 : memref<!tpu.dma_semaphore, #tpu.memory_space<semaphore_mem>>) src(%dma_wait3A_495 : memref<32x128xf32, #tpu.memory_space<hbm>>) dst(%dma_wait3A_493 : memref<32x128xf32, #tpu.memory_space<vmem>>)
      %dma_wait3A_496 = arith.constant 15 : i32
      %dma_wait3A_497 = arith.constant 0 : i32
      %dma_wait3A_498 = arith.constant 0 : i32
      %dma_wait3A_499 = tpu.memref_slice %arg6[%dma_wait3A_496, %dma_wait3A_497, %dma_wait3A_498] : memref<16x32x128xf32, #tpu.memory_space<vmem>> -> memref<1x32x128xf32, #tpu.memory_space<vmem>>
      %dma_wait3A_500 = tpu.memref_squeeze %dma_wait3A_499 : memref<1x32x128xf32, #tpu.memory_space<vmem>> -> memref<32x128xf32, #tpu.memory_space<vmem>>
      %dma_wait3A_501 = arith.constant 0 : i32
      %dma_wait3A_502 = tpu.memref_slice %arg2[%dma_wait3A_501, %multiple_of3A_288] : memref<32x1000000xf32, #tpu.memory_space<hbm>> -> memref<32x128xf32, #tpu.memory_space<hbm>>
      %dma_wait3A_503 = arith.constant 0 : i32
      %dma_wait3A_504 = arith.constant 0 : i32
      %dma_wait3A_505 = tpu.memref_slice %arg6[%dma_wait3A_496, %dma_wait3A_503, %dma_wait3A_504] : memref<16x32x128xf32, #tpu.memory_space<vmem>> -> memref<1x32x128xf32, #tpu.memory_space<vmem>>
      %dma_wait3A_506 = tpu.memref_squeeze %dma_wait3A_505 : memref<1x32x128xf32, #tpu.memory_space<vmem>> -> memref<32x128xf32, #tpu.memory_space<vmem>>
      %dma_wait3A_507 = arith.constant 0 : i32
      %dma_wait3A_508 = tpu.memref_slice %arg2[%dma_wait3A_507, %multiple_of3A_288] : memref<32x1000000xf32, #tpu.memory_space<hbm>> -> memref<32x128xf32, #tpu.memory_space<hbm>>
      tpu.wait_dma2 semaphore(%arg8 : memref<!tpu.dma_semaphore, #tpu.memory_space<semaphore_mem>>) src(%dma_wait3A_508 : memref<32x128xf32, #tpu.memory_space<hbm>>) dst(%dma_wait3A_506 : memref<32x128xf32, #tpu.memory_space<vmem>>)
      %slice3A_509 = vector.extract_strided_slice %and3A_17 {offsets = [0], sizes = [1], strides = [1]} : vector<16xi32> to vector<1xi32>
      %squeeze3A_510 = vector.extract %slice3A_509[0] : i32 from vector<1xi32>
      %broadcast_in_dim3A = vector.broadcast %squeeze3A_510 : i32 to vector<16xi32>
      %mul3A_511 = arith.constant 16 : i32
      %mul3A_512 = arith.muli %scan3A_9, %mul3A_511 : i32
      %add3A_513 = arith.constant 0 : i32
      %add3A_514 = arith.addi %mul3A_512, %add3A_513 : i32
      %broadcast_in_dim3A_515 = vector.broadcast %add3A_514 : i32 to vector<16xi32>
      %gather3A = arith.constant 0 : i32
      %gather3A_516 = arith.constant 0 : i32
      %gather3A_517 = arith.constant 0 : i32
      %gather3A_518 = tpu.memref_slice %arg6[%gather3A, %gather3A_516, %gather3A_517] : memref<16x32x128xf32, #tpu.memory_space<vmem>> -> memref<1x32x128xf32, #tpu.memory_space<vmem>>
      %gather3A_519 = tpu.memref_squeeze %gather3A_518 : memref<1x32x128xf32, #tpu.memory_space<vmem>> -> memref<32x128xf32, #tpu.memory_space<vmem>>
      %gather3A_520 = tpu.vector_load_idx %gather3A_519[%iota3A, %broadcast_in_dim3A] : memref<32x128xf32, #tpu.memory_space<vmem>>[vector<16xi32>, vector<16xi32>], vector<16xf32>,
      %add3A_521 = arith.constant 16 : i32
      %add3A_522 = vector.broadcast %add3A_521 : i32 to vector<16xi32>
      %add3A_523 = arith.addi %iota3A, %add3A_522 : vector<16xi32>
      %gather3A_524 = arith.constant 0 : i32
      %gather3A_525 = arith.constant 0 : i32
      %gather3A_526 = arith.constant 0 : i32
      %gather3A_527 = tpu.memref_slice %arg6[%gather3A_524, %gather3A_525, %gather3A_526] : memref<16x32x128xf32, #tpu.memory_space<vmem>> -> memref<1x32x128xf32, #tpu.memory_space<vmem>>
      %gather3A_528 = tpu.memref_squeeze %gather3A_527 : memref<1x32x128xf32, #tpu.memory_space<vmem>> -> memref<32x128xf32, #tpu.memory_space<vmem>>
      %gather3A_529 = tpu.vector_load_idx %gather3A_528[%add3A_523, %broadcast_in_dim3A] : memref<32x128xf32, #tpu.memory_space<vmem>>[vector<16xi32>, vector<16xi32>], vector<16xf32>,
      tpu.vector_store_idx %arg7[%iota3A, %broadcast_in_dim3A_515], %gather3A_520 : memref<32x512xf32, #tpu.memory_space<vmem>>[vector<16xi32>, vector<16xi32>], vector<16xf32>,
      %add3A_530 = arith.constant 16 : i32
      %add3A_531 = vector.broadcast %add3A_530 : i32 to vector<16xi32>
      %add3A_532 = arith.addi %iota3A, %add3A_531 : vector<16xi32>
      tpu.vector_store_idx %arg7[%add3A_532, %broadcast_in_dim3A_515], %gather3A_529 : memref<32x512xf32, #tpu.memory_space<vmem>>[vector<16xi32>, vector<16xi32>], vector<16xf32>,
      %slice3A_533 = vector.extract_strided_slice %and3A_17 {offsets = [1], sizes = [1], strides = [1]} : vector<16xi32> to vector<1xi32>
      %squeeze3A_534 = vector.extract %slice3A_533[0] : i32 from vector<1xi32>
      %broadcast_in_dim3A_535 = vector.broadcast %squeeze3A_534 : i32 to vector<16xi32>
      %mul3A_536 = arith.constant 16 : i32
      %mul3A_537 = arith.muli %scan3A_9, %mul3A_536 : i32
      %add3A_538 = arith.constant 1 : i32
      %add3A_539 = arith.addi %mul3A_537, %add3A_538 : i32
      %broadcast_in_dim3A_540 = vector.broadcast %add3A_539 : i32 to vector<16xi32>
      %gather3A_541 = arith.constant 1 : i32
      %gather3A_542 = arith.constant 0 : i32
      %gather3A_543 = arith.constant 0 : i32
      %gather3A_544 = tpu.memref_slice %arg6[%gather3A_541, %gather3A_542, %gather3A_543] : memref<16x32x128xf32, #tpu.memory_space<vmem>> -> memref<1x32x128xf32, #tpu.memory_space<vmem>>
      %gather3A_545 = tpu.memref_squeeze %gather3A_544 : memref<1x32x128xf32, #tpu.memory_space<vmem>> -> memref<32x128xf32, #tpu.memory_space<vmem>>
      %gather3A_546 = tpu.vector_load_idx %gather3A_545[%iota3A, %broadcast_in_dim3A_535] : memref<32x128xf32, #tpu.memory_space<vmem>>[vector<16xi32>, vector<16xi32>], vector<16xf32>,
      %add3A_547 = arith.constant 16 : i32
      %add3A_548 = vector.broadcast %add3A_547 : i32 to vector<16xi32>
      %add3A_549 = arith.addi %iota3A, %add3A_548 : vector<16xi32>
      %gather3A_550 = arith.constant 1 : i32
      %gather3A_551 = arith.constant 0 : i32
      %gather3A_552 = arith.constant 0 : i32
      %gather3A_553 = tpu.memref_slice %arg6[%gather3A_550, %gather3A_551, %gather3A_552] : memref<16x32x128xf32, #tpu.memory_space<vmem>> -> memref<1x32x128xf32, #tpu.memory_space<vmem>>
      %gather3A_554 = tpu.memref_squeeze %gather3A_553 : memref<1x32x128xf32, #tpu.memory_space<vmem>> -> memref<32x128xf32, #tpu.memory_space<vmem>>
      %gather3A_555 = tpu.vector_load_idx %gather3A_554[%add3A_549, %broadcast_in_dim3A_535] : memref<32x128xf32, #tpu.memory_space<vmem>>[vector<16xi32>, vector<16xi32>], vector<16xf32>,
      tpu.vector_store_idx %arg7[%iota3A, %broadcast_in_dim3A_540], %gather3A_546 : memref<32x512xf32, #tpu.memory_space<vmem>>[vector<16xi32>, vector<16xi32>], vector<16xf32>,
      %add3A_556 = arith.constant 16 : i32
      %add3A_557 = vector.broadcast %add3A_556 : i32 to vector<16xi32>
      %add3A_558 = arith.addi %iota3A, %add3A_557 : vector<16xi32>
      tpu.vector_store_idx %arg7[%add3A_558, %broadcast_in_dim3A_540], %gather3A_555 : memref<32x512xf32, #tpu.memory_space<vmem>>[vector<16xi32>, vector<16xi32>], vector<16xf32>,
      %slice3A_559 = vector.extract_strided_slice %and3A_17 {offsets = [2], sizes = [1], strides = [1]} : vector<16xi32> to vector<1xi32>
      %squeeze3A_560 = vector.extract %slice3A_559[0] : i32 from vector<1xi32>
      %broadcast_in_dim3A_561 = vector.broadcast %squeeze3A_560 : i32 to vector<16xi32>
      %mul3A_562 = arith.constant 16 : i32
      %mul3A_563 = arith.muli %scan3A_9, %mul3A_562 : i32
      %add3A_564 = arith.constant 2 : i32
      %add3A_565 = arith.addi %mul3A_563, %add3A_564 : i32
      %broadcast_in_dim3A_566 = vector.broadcast %add3A_565 : i32 to vector<16xi32>
      %gather3A_567 = arith.constant 2 : i32
      %gather3A_568 = arith.constant 0 : i32
      %gather3A_569 = arith.constant 0 : i32
      %gather3A_570 = tpu.memref_slice %arg6[%gather3A_567, %gather3A_568, %gather3A_569] : memref<16x32x128xf32, #tpu.memory_space<vmem>> -> memref<1x32x128xf32, #tpu.memory_space<vmem>>
      %gather3A_571 = tpu.memref_squeeze %gather3A_570 : memref<1x32x128xf32, #tpu.memory_space<vmem>> -> memref<32x128xf32, #tpu.memory_space<vmem>>
      %gather3A_572 = tpu.vector_load_idx %gather3A_571[%iota3A, %broadcast_in_dim3A_561] : memref<32x128xf32, #tpu.memory_space<vmem>>[vector<16xi32>, vector<16xi32>], vector<16xf32>,
      %add3A_573 = arith.constant 16 : i32
      %add3A_574 = vector.broadcast %add3A_573 : i32 to vector<16xi32>
      %add3A_575 = arith.addi %iota3A, %add3A_574 : vector<16xi32>
      %gather3A_576 = arith.constant 2 : i32
      %gather3A_577 = arith.constant 0 : i32
      %gather3A_578 = arith.constant 0 : i32
      %gather3A_579 = tpu.memref_slice %arg6[%gather3A_576, %gather3A_577, %gather3A_578] : memref<16x32x128xf32, #tpu.memory_space<vmem>> -> memref<1x32x128xf32, #tpu.memory_space<vmem>>
      %gather3A_580 = tpu.memref_squeeze %gather3A_579 : memref<1x32x128xf32, #tpu.memory_space<vmem>> -> memref<32x128xf32, #tpu.memory_space<vmem>>
      %gather3A_581 = tpu.vector_load_idx %gather3A_580[%add3A_575, %broadcast_in_dim3A_561] : memref<32x128xf32, #tpu.memory_space<vmem>>[vector<16xi32>, vector<16xi32>], vector<16xf32>,
      tpu.vector_store_idx %arg7[%iota3A, %broadcast_in_dim3A_566], %gather3A_572 : memref<32x512xf32, #tpu.memory_space<vmem>>[vector<16xi32>, vector<16xi32>], vector<16xf32>,
      %add3A_582 = arith.constant 16 : i32
      %add3A_583 = vector.broadcast %add3A_582 : i32 to vector<16xi32>
      %add3A_584 = arith.addi %iota3A, %add3A_583 : vector<16xi32>
      tpu.vector_store_idx %arg7[%add3A_584, %broadcast_in_dim3A_566], %gather3A_581 : memref<32x512xf32, #tpu.memory_space<vmem>>[vector<16xi32>, vector<16xi32>], vector<16xf32>,
      %slice3A_585 = vector.extract_strided_slice %and3A_17 {offsets = [3], sizes = [1], strides = [1]} : vector<16xi32> to vector<1xi32>
      %squeeze3A_586 = vector.extract %slice3A_585[0] : i32 from vector<1xi32>
      %broadcast_in_dim3A_587 = vector.broadcast %squeeze3A_586 : i32 to vector<16xi32>
      %mul3A_588 = arith.constant 16 : i32
      %mul3A_589 = arith.muli %scan3A_9, %mul3A_588 : i32
      %add3A_590 = arith.constant 3 : i32
      %add3A_591 = arith.addi %mul3A_589, %add3A_590 : i32
      %broadcast_in_dim3A_592 = vector.broadcast %add3A_591 : i32 to vector<16xi32>
      %gather3A_593 = arith.constant 3 : i32
      %gather3A_594 = arith.constant 0 : i32
      %gather3A_595 = arith.constant 0 : i32
      %gather3A_596 = tpu.memref_slice %arg6[%gather3A_593, %gather3A_594, %gather3A_595] : memref<16x32x128xf32, #tpu.memory_space<vmem>> -> memref<1x32x128xf32, #tpu.memory_space<vmem>>
      %gather3A_597 = tpu.memref_squeeze %gather3A_596 : memref<1x32x128xf32, #tpu.memory_space<vmem>> -> memref<32x128xf32, #tpu.memory_space<vmem>>
      %gather3A_598 = tpu.vector_load_idx %gather3A_597[%iota3A, %broadcast_in_dim3A_587] : memref<32x128xf32, #tpu.memory_space<vmem>>[vector<16xi32>, vector<16xi32>], vector<16xf32>,
      %add3A_599 = arith.constant 16 : i32
      %add3A_600 = vector.broadcast %add3A_599 : i32 to vector<16xi32>
      %add3A_601 = arith.addi %iota3A, %add3A_600 : vector<16xi32>
      %gather3A_602 = arith.constant 3 : i32
      %gather3A_603 = arith.constant 0 : i32
      %gather3A_604 = arith.constant 0 : i32
      %gather3A_605 = tpu.memref_slice %arg6[%gather3A_602, %gather3A_603, %gather3A_604] : memref<16x32x128xf32, #tpu.memory_space<vmem>> -> memref<1x32x128xf32, #tpu.memory_space<vmem>>
      %gather3A_606 = tpu.memref_squeeze %gather3A_605 : memref<1x32x128xf32, #tpu.memory_space<vmem>> -> memref<32x128xf32, #tpu.memory_space<vmem>>
      %gather3A_607 = tpu.vector_load_idx %gather3A_606[%add3A_601, %broadcast_in_dim3A_587] : memref<32x128xf32, #tpu.memory_space<vmem>>[vector<16xi32>, vector<16xi32>], vector<16xf32>,
      tpu.vector_store_idx %arg7[%iota3A, %broadcast_in_dim3A_592], %gather3A_598 : memref<32x512xf32, #tpu.memory_space<vmem>>[vector<16xi32>, vector<16xi32>], vector<16xf32>,
      %add3A_608 = arith.constant 16 : i32
      %add3A_609 = vector.broadcast %add3A_608 : i32 to vector<16xi32>
      %add3A_610 = arith.addi %iota3A, %add3A_609 : vector<16xi32>
      tpu.vector_store_idx %arg7[%add3A_610, %broadcast_in_dim3A_592], %gather3A_607 : memref<32x512xf32, #tpu.memory_space<vmem>>[vector<16xi32>, vector<16xi32>], vector<16xf32>,
      %slice3A_611 = vector.extract_strided_slice %and3A_17 {offsets = [4], sizes = [1], strides = [1]} : vector<16xi32> to vector<1xi32>
      %squeeze3A_612 = vector.extract %slice3A_611[0] : i32 from vector<1xi32>
      %broadcast_in_dim3A_613 = vector.broadcast %squeeze3A_612 : i32 to vector<16xi32>
      %mul3A_614 = arith.constant 16 : i32
      %mul3A_615 = arith.muli %scan3A_9, %mul3A_614 : i32
      %add3A_616 = arith.constant 4 : i32
      %add3A_617 = arith.addi %mul3A_615, %add3A_616 : i32
      %broadcast_in_dim3A_618 = vector.broadcast %add3A_617 : i32 to vector<16xi32>
      %gather3A_619 = arith.constant 4 : i32
      %gather3A_620 = arith.constant 0 : i32
      %gather3A_621 = arith.constant 0 : i32
      %gather3A_622 = tpu.memref_slice %arg6[%gather3A_619, %gather3A_620, %gather3A_621] : memref<16x32x128xf32, #tpu.memory_space<vmem>> -> memref<1x32x128xf32, #tpu.memory_space<vmem>>
      %gather3A_623 = tpu.memref_squeeze %gather3A_622 : memref<1x32x128xf32, #tpu.memory_space<vmem>> -> memref<32x128xf32, #tpu.memory_space<vmem>>
      %gather3A_624 = tpu.vector_load_idx %gather3A_623[%iota3A, %broadcast_in_dim3A_613] : memref<32x128xf32, #tpu.memory_space<vmem>>[vector<16xi32>, vector<16xi32>], vector<16xf32>,
      %add3A_625 = arith.constant 16 : i32
      %add3A_626 = vector.broadcast %add3A_625 : i32 to vector<16xi32>
      %add3A_627 = arith.addi %iota3A, %add3A_626 : vector<16xi32>
      %gather3A_628 = arith.constant 4 : i32
      %gather3A_629 = arith.constant 0 : i32
      %gather3A_630 = arith.constant 0 : i32
      %gather3A_631 = tpu.memref_slice %arg6[%gather3A_628, %gather3A_629, %gather3A_630] : memref<16x32x128xf32, #tpu.memory_space<vmem>> -> memref<1x32x128xf32, #tpu.memory_space<vmem>>
      %gather3A_632 = tpu.memref_squeeze %gather3A_631 : memref<1x32x128xf32, #tpu.memory_space<vmem>> -> memref<32x128xf32, #tpu.memory_space<vmem>>
      %gather3A_633 = tpu.vector_load_idx %gather3A_632[%add3A_627, %broadcast_in_dim3A_613] : memref<32x128xf32, #tpu.memory_space<vmem>>[vector<16xi32>, vector<16xi32>], vector<16xf32>,
      tpu.vector_store_idx %arg7[%iota3A, %broadcast_in_dim3A_618], %gather3A_624 : memref<32x512xf32, #tpu.memory_space<vmem>>[vector<16xi32>, vector<16xi32>], vector<16xf32>,
      %add3A_634 = arith.constant 16 : i32
      %add3A_635 = vector.broadcast %add3A_634 : i32 to vector<16xi32>
      %add3A_636 = arith.addi %iota3A, %add3A_635 : vector<16xi32>
      tpu.vector_store_idx %arg7[%add3A_636, %broadcast_in_dim3A_618], %gather3A_633 : memref<32x512xf32, #tpu.memory_space<vmem>>[vector<16xi32>, vector<16xi32>], vector<16xf32>,
      %slice3A_637 = vector.extract_strided_slice %and3A_17 {offsets = [5], sizes = [1], strides = [1]} : vector<16xi32> to vector<1xi32>
      %squeeze3A_638 = vector.extract %slice3A_637[0] : i32 from vector<1xi32>
      %broadcast_in_dim3A_639 = vector.broadcast %squeeze3A_638 : i32 to vector<16xi32>
      %mul3A_640 = arith.constant 16 : i32
      %mul3A_641 = arith.muli %scan3A_9, %mul3A_640 : i32
      %add3A_642 = arith.constant 5 : i32
      %add3A_643 = arith.addi %mul3A_641, %add3A_642 : i32
      %broadcast_in_dim3A_644 = vector.broadcast %add3A_643 : i32 to vector<16xi32>
      %gather3A_645 = arith.constant 5 : i32
      %gather3A_646 = arith.constant 0 : i32
      %gather3A_647 = arith.constant 0 : i32
      %gather3A_648 = tpu.memref_slice %arg6[%gather3A_645, %gather3A_646, %gather3A_647] : memref<16x32x128xf32, #tpu.memory_space<vmem>> -> memref<1x32x128xf32, #tpu.memory_space<vmem>>
      %gather3A_649 = tpu.memref_squeeze %gather3A_648 : memref<1x32x128xf32, #tpu.memory_space<vmem>> -> memref<32x128xf32, #tpu.memory_space<vmem>>
      %gather3A_650 = tpu.vector_load_idx %gather3A_649[%iota3A, %broadcast_in_dim3A_639] : memref<32x128xf32, #tpu.memory_space<vmem>>[vector<16xi32>, vector<16xi32>], vector<16xf32>,
      %add3A_651 = arith.constant 16 : i32
      %add3A_652 = vector.broadcast %add3A_651 : i32 to vector<16xi32>
      %add3A_653 = arith.addi %iota3A, %add3A_652 : vector<16xi32>
      %gather3A_654 = arith.constant 5 : i32
      %gather3A_655 = arith.constant 0 : i32
      %gather3A_656 = arith.constant 0 : i32
      %gather3A_657 = tpu.memref_slice %arg6[%gather3A_654, %gather3A_655, %gather3A_656] : memref<16x32x128xf32, #tpu.memory_space<vmem>> -> memref<1x32x128xf32, #tpu.memory_space<vmem>>
      %gather3A_658 = tpu.memref_squeeze %gather3A_657 : memref<1x32x128xf32, #tpu.memory_space<vmem>> -> memref<32x128xf32, #tpu.memory_space<vmem>>
      %gather3A_659 = tpu.vector_load_idx %gather3A_658[%add3A_653, %broadcast_in_dim3A_639] : memref<32x128xf32, #tpu.memory_space<vmem>>[vector<16xi32>, vector<16xi32>], vector<16xf32>,
      tpu.vector_store_idx %arg7[%iota3A, %broadcast_in_dim3A_644], %gather3A_650 : memref<32x512xf32, #tpu.memory_space<vmem>>[vector<16xi32>, vector<16xi32>], vector<16xf32>,
      %add3A_660 = arith.constant 16 : i32
      %add3A_661 = vector.broadcast %add3A_660 : i32 to vector<16xi32>
      %add3A_662 = arith.addi %iota3A, %add3A_661 : vector<16xi32>
      tpu.vector_store_idx %arg7[%add3A_662, %broadcast_in_dim3A_644], %gather3A_659 : memref<32x512xf32, #tpu.memory_space<vmem>>[vector<16xi32>, vector<16xi32>], vector<16xf32>,
      %slice3A_663 = vector.extract_strided_slice %and3A_17 {offsets = [6], sizes = [1], strides = [1]} : vector<16xi32> to vector<1xi32>
      %squeeze3A_664 = vector.extract %slice3A_663[0] : i32 from vector<1xi32>
      %broadcast_in_dim3A_665 = vector.broadcast %squeeze3A_664 : i32 to vector<16xi32>
      %mul3A_666 = arith.constant 16 : i32
      %mul3A_667 = arith.muli %scan3A_9, %mul3A_666 : i32
      %add3A_668 = arith.constant 6 : i32
      %add3A_669 = arith.addi %mul3A_667, %add3A_668 : i32
      %broadcast_in_dim3A_670 = vector.broadcast %add3A_669 : i32 to vector<16xi32>
      %gather3A_671 = arith.constant 6 : i32
      %gather3A_672 = arith.constant 0 : i32
      %gather3A_673 = arith.constant 0 : i32
      %gather3A_674 = tpu.memref_slice %arg6[%gather3A_671, %gather3A_672, %gather3A_673] : memref<16x32x128xf32, #tpu.memory_space<vmem>> -> memref<1x32x128xf32, #tpu.memory_space<vmem>>
      %gather3A_675 = tpu.memref_squeeze %gather3A_674 : memref<1x32x128xf32, #tpu.memory_space<vmem>> -> memref<32x128xf32, #tpu.memory_space<vmem>>
      %gather3A_676 = tpu.vector_load_idx %gather3A_675[%iota3A, %broadcast_in_dim3A_665] : memref<32x128xf32, #tpu.memory_space<vmem>>[vector<16xi32>, vector<16xi32>], vector<16xf32>,
      %add3A_677 = arith.constant 16 : i32
      %add3A_678 = vector.broadcast %add3A_677 : i32 to vector<16xi32>
      %add3A_679 = arith.addi %iota3A, %add3A_678 : vector<16xi32>
      %gather3A_680 = arith.constant 6 : i32
      %gather3A_681 = arith.constant 0 : i32
      %gather3A_682 = arith.constant 0 : i32
      %gather3A_683 = tpu.memref_slice %arg6[%gather3A_680, %gather3A_681, %gather3A_682] : memref<16x32x128xf32, #tpu.memory_space<vmem>> -> memref<1x32x128xf32, #tpu.memory_space<vmem>>
      %gather3A_684 = tpu.memref_squeeze %gather3A_683 : memref<1x32x128xf32, #tpu.memory_space<vmem>> -> memref<32x128xf32, #tpu.memory_space<vmem>>
      %gather3A_685 = tpu.vector_load_idx %gather3A_684[%add3A_679, %broadcast_in_dim3A_665] : memref<32x128xf32, #tpu.memory_space<vmem>>[vector<16xi32>, vector<16xi32>], vector<16xf32>,
      tpu.vector_store_idx %arg7[%iota3A, %broadcast_in_dim3A_670], %gather3A_676 : memref<32x512xf32, #tpu.memory_space<vmem>>[vector<16xi32>, vector<16xi32>], vector<16xf32>,
      %add3A_686 = arith.constant 16 : i32
      %add3A_687 = vector.broadcast %add3A_686 : i32 to vector<16xi32>
      %add3A_688 = arith.addi %iota3A, %add3A_687 : vector<16xi32>
      tpu.vector_store_idx %arg7[%add3A_688, %broadcast_in_dim3A_670], %gather3A_685 : memref<32x512xf32, #tpu.memory_space<vmem>>[vector<16xi32>, vector<16xi32>], vector<16xf32>,
      %slice3A_689 = vector.extract_strided_slice %and3A_17 {offsets = [7], sizes = [1], strides = [1]} : vector<16xi32> to vector<1xi32>
      %squeeze3A_690 = vector.extract %slice3A_689[0] : i32 from vector<1xi32>
      %broadcast_in_dim3A_691 = vector.broadcast %squeeze3A_690 : i32 to vector<16xi32>
      %mul3A_692 = arith.constant 16 : i32
      %mul3A_693 = arith.muli %scan3A_9, %mul3A_692 : i32
      %add3A_694 = arith.constant 7 : i32
      %add3A_695 = arith.addi %mul3A_693, %add3A_694 : i32
      %broadcast_in_dim3A_696 = vector.broadcast %add3A_695 : i32 to vector<16xi32>
      %gather3A_697 = arith.constant 7 : i32
      %gather3A_698 = arith.constant 0 : i32
      %gather3A_699 = arith.constant 0 : i32
      %gather3A_700 = tpu.memref_slice %arg6[%gather3A_697, %gather3A_698, %gather3A_699] : memref<16x32x128xf32, #tpu.memory_space<vmem>> -> memref<1x32x128xf32, #tpu.memory_space<vmem>>
      %gather3A_701 = tpu.memref_squeeze %gather3A_700 : memref<1x32x128xf32, #tpu.memory_space<vmem>> -> memref<32x128xf32, #tpu.memory_space<vmem>>
      %gather3A_702 = tpu.vector_load_idx %gather3A_701[%iota3A, %broadcast_in_dim3A_691] : memref<32x128xf32, #tpu.memory_space<vmem>>[vector<16xi32>, vector<16xi32>], vector<16xf32>,
      %add3A_703 = arith.constant 16 : i32
      %add3A_704 = vector.broadcast %add3A_703 : i32 to vector<16xi32>
      %add3A_705 = arith.addi %iota3A, %add3A_704 : vector<16xi32>
      %gather3A_706 = arith.constant 7 : i32
      %gather3A_707 = arith.constant 0 : i32
      %gather3A_708 = arith.constant 0 : i32
      %gather3A_709 = tpu.memref_slice %arg6[%gather3A_706, %gather3A_707, %gather3A_708] : memref<16x32x128xf32, #tpu.memory_space<vmem>> -> memref<1x32x128xf32, #tpu.memory_space<vmem>>
      %gather3A_710 = tpu.memref_squeeze %gather3A_709 : memref<1x32x128xf32, #tpu.memory_space<vmem>> -> memref<32x128xf32, #tpu.memory_space<vmem>>
      %gather3A_711 = tpu.vector_load_idx %gather3A_710[%add3A_705, %broadcast_in_dim3A_691] : memref<32x128xf32, #tpu.memory_space<vmem>>[vector<16xi32>, vector<16xi32>], vector<16xf32>,
      tpu.vector_store_idx %arg7[%iota3A, %broadcast_in_dim3A_696], %gather3A_702 : memref<32x512xf32, #tpu.memory_space<vmem>>[vector<16xi32>, vector<16xi32>], vector<16xf32>,
      %add3A_712 = arith.constant 16 : i32
      %add3A_713 = vector.broadcast %add3A_712 : i32 to vector<16xi32>
      %add3A_714 = arith.addi %iota3A, %add3A_713 : vector<16xi32>
      tpu.vector_store_idx %arg7[%add3A_714, %broadcast_in_dim3A_696], %gather3A_711 : memref<32x512xf32, #tpu.memory_space<vmem>>[vector<16xi32>, vector<16xi32>], vector<16xf32>,
      %slice3A_715 = vector.extract_strided_slice %and3A_17 {offsets = [8], sizes = [1], strides = [1]} : vector<16xi32> to vector<1xi32>
      %squeeze3A_716 = vector.extract %slice3A_715[0] : i32 from vector<1xi32>
      %broadcast_in_dim3A_717 = vector.broadcast %squeeze3A_716 : i32 to vector<16xi32>
      %mul3A_718 = arith.constant 16 : i32
      %mul3A_719 = arith.muli %scan3A_9, %mul3A_718 : i32
      %add3A_720 = arith.constant 8 : i32
      %add3A_721 = arith.addi %mul3A_719, %add3A_720 : i32
      %broadcast_in_dim3A_722 = vector.broadcast %add3A_721 : i32 to vector<16xi32>
      %gather3A_723 = arith.constant 8 : i32
      %gather3A_724 = arith.constant 0 : i32
      %gather3A_725 = arith.constant 0 : i32
      %gather3A_726 = tpu.memref_slice %arg6[%gather3A_723, %gather3A_724, %gather3A_725] : memref<16x32x128xf32, #tpu.memory_space<vmem>> -> memref<1x32x128xf32, #tpu.memory_space<vmem>>
      %gather3A_727 = tpu.memref_squeeze %gather3A_726 : memref<1x32x128xf32, #tpu.memory_space<vmem>> -> memref<32x128xf32, #tpu.memory_space<vmem>>
      %gather3A_728 = tpu.vector_load_idx %gather3A_727[%iota3A, %broadcast_in_dim3A_717] : memref<32x128xf32, #tpu.memory_space<vmem>>[vector<16xi32>, vector<16xi32>], vector<16xf32>,
      %add3A_729 = arith.constant 16 : i32
      %add3A_730 = vector.broadcast %add3A_729 : i32 to vector<16xi32>
      %add3A_731 = arith.addi %iota3A, %add3A_730 : vector<16xi32>
      %gather3A_732 = arith.constant 8 : i32
      %gather3A_733 = arith.constant 0 : i32
      %gather3A_734 = arith.constant 0 : i32
      %gather3A_735 = tpu.memref_slice %arg6[%gather3A_732, %gather3A_733, %gather3A_734] : memref<16x32x128xf32, #tpu.memory_space<vmem>> -> memref<1x32x128xf32, #tpu.memory_space<vmem>>
      %gather3A_736 = tpu.memref_squeeze %gather3A_735 : memref<1x32x128xf32, #tpu.memory_space<vmem>> -> memref<32x128xf32, #tpu.memory_space<vmem>>
      %gather3A_737 = tpu.vector_load_idx %gather3A_736[%add3A_731, %broadcast_in_dim3A_717] : memref<32x128xf32, #tpu.memory_space<vmem>>[vector<16xi32>, vector<16xi32>], vector<16xf32>,
      tpu.vector_store_idx %arg7[%iota3A, %broadcast_in_dim3A_722], %gather3A_728 : memref<32x512xf32, #tpu.memory_space<vmem>>[vector<16xi32>, vector<16xi32>], vector<16xf32>,
      %add3A_738 = arith.constant 16 : i32
      %add3A_739 = vector.broadcast %add3A_738 : i32 to vector<16xi32>
      %add3A_740 = arith.addi %iota3A, %add3A_739 : vector<16xi32>
      tpu.vector_store_idx %arg7[%add3A_740, %broadcast_in_dim3A_722], %gather3A_737 : memref<32x512xf32, #tpu.memory_space<vmem>>[vector<16xi32>, vector<16xi32>], vector<16xf32>,
      %slice3A_741 = vector.extract_strided_slice %and3A_17 {offsets = [9], sizes = [1], strides = [1]} : vector<16xi32> to vector<1xi32>
      %squeeze3A_742 = vector.extract %slice3A_741[0] : i32 from vector<1xi32>
      %broadcast_in_dim3A_743 = vector.broadcast %squeeze3A_742 : i32 to vector<16xi32>
      %mul3A_744 = arith.constant 16 : i32
      %mul3A_745 = arith.muli %scan3A_9, %mul3A_744 : i32
      %add3A_746 = arith.constant 9 : i32
      %add3A_747 = arith.addi %mul3A_745, %add3A_746 : i32
      %broadcast_in_dim3A_748 = vector.broadcast %add3A_747 : i32 to vector<16xi32>
      %gather3A_749 = arith.constant 9 : i32
      %gather3A_750 = arith.constant 0 : i32
      %gather3A_751 = arith.constant 0 : i32
      %gather3A_752 = tpu.memref_slice %arg6[%gather3A_749, %gather3A_750, %gather3A_751] : memref<16x32x128xf32, #tpu.memory_space<vmem>> -> memref<1x32x128xf32, #tpu.memory_space<vmem>>
      %gather3A_753 = tpu.memref_squeeze %gather3A_752 : memref<1x32x128xf32, #tpu.memory_space<vmem>> -> memref<32x128xf32, #tpu.memory_space<vmem>>
      %gather3A_754 = tpu.vector_load_idx %gather3A_753[%iota3A, %broadcast_in_dim3A_743] : memref<32x128xf32, #tpu.memory_space<vmem>>[vector<16xi32>, vector<16xi32>], vector<16xf32>,
      %add3A_755 = arith.constant 16 : i32
      %add3A_756 = vector.broadcast %add3A_755 : i32 to vector<16xi32>
      %add3A_757 = arith.addi %iota3A, %add3A_756 : vector<16xi32>
      %gather3A_758 = arith.constant 9 : i32
      %gather3A_759 = arith.constant 0 : i32
      %gather3A_760 = arith.constant 0 : i32
      %gather3A_761 = tpu.memref_slice %arg6[%gather3A_758, %gather3A_759, %gather3A_760] : memref<16x32x128xf32, #tpu.memory_space<vmem>> -> memref<1x32x128xf32, #tpu.memory_space<vmem>>
      %gather3A_762 = tpu.memref_squeeze %gather3A_761 : memref<1x32x128xf32, #tpu.memory_space<vmem>> -> memref<32x128xf32, #tpu.memory_space<vmem>>
      %gather3A_763 = tpu.vector_load_idx %gather3A_762[%add3A_757, %broadcast_in_dim3A_743] : memref<32x128xf32, #tpu.memory_space<vmem>>[vector<16xi32>, vector<16xi32>], vector<16xf32>,
      tpu.vector_store_idx %arg7[%iota3A, %broadcast_in_dim3A_748], %gather3A_754 : memref<32x512xf32, #tpu.memory_space<vmem>>[vector<16xi32>, vector<16xi32>], vector<16xf32>,
      %add3A_764 = arith.constant 16 : i32
      %add3A_765 = vector.broadcast %add3A_764 : i32 to vector<16xi32>
      %add3A_766 = arith.addi %iota3A, %add3A_765 : vector<16xi32>
      tpu.vector_store_idx %arg7[%add3A_766, %broadcast_in_dim3A_748], %gather3A_763 : memref<32x512xf32, #tpu.memory_space<vmem>>[vector<16xi32>, vector<16xi32>], vector<16xf32>,
      %slice3A_767 = vector.extract_strided_slice %and3A_17 {offsets = [10], sizes = [1], strides = [1]} : vector<16xi32> to vector<1xi32>
      %squeeze3A_768 = vector.extract %slice3A_767[0] : i32 from vector<1xi32>
      %broadcast_in_dim3A_769 = vector.broadcast %squeeze3A_768 : i32 to vector<16xi32>
      %mul3A_770 = arith.constant 16 : i32
      %mul3A_771 = arith.muli %scan3A_9, %mul3A_770 : i32
      %add3A_772 = arith.constant 10 : i32
      %add3A_773 = arith.addi %mul3A_771, %add3A_772 : i32
      %broadcast_in_dim3A_774 = vector.broadcast %add3A_773 : i32 to vector<16xi32>
      %gather3A_775 = arith.constant 10 : i32
      %gather3A_776 = arith.constant 0 : i32
      %gather3A_777 = arith.constant 0 : i32
      %gather3A_778 = tpu.memref_slice %arg6[%gather3A_775, %gather3A_776, %gather3A_777] : memref<16x32x128xf32, #tpu.memory_space<vmem>> -> memref<1x32x128xf32, #tpu.memory_space<vmem>>
      %gather3A_779 = tpu.memref_squeeze %gather3A_778 : memref<1x32x128xf32, #tpu.memory_space<vmem>> -> memref<32x128xf32, #tpu.memory_space<vmem>>
      %gather3A_780 = tpu.vector_load_idx %gather3A_779[%iota3A, %broadcast_in_dim3A_769] : memref<32x128xf32, #tpu.memory_space<vmem>>[vector<16xi32>, vector<16xi32>], vector<16xf32>,
      %add3A_781 = arith.constant 16 : i32
      %add3A_782 = vector.broadcast %add3A_781 : i32 to vector<16xi32>
      %add3A_783 = arith.addi %iota3A, %add3A_782 : vector<16xi32>
      %gather3A_784 = arith.constant 10 : i32
      %gather3A_785 = arith.constant 0 : i32
      %gather3A_786 = arith.constant 0 : i32
      %gather3A_787 = tpu.memref_slice %arg6[%gather3A_784, %gather3A_785, %gather3A_786] : memref<16x32x128xf32, #tpu.memory_space<vmem>> -> memref<1x32x128xf32, #tpu.memory_space<vmem>>
      %gather3A_788 = tpu.memref_squeeze %gather3A_787 : memref<1x32x128xf32, #tpu.memory_space<vmem>> -> memref<32x128xf32, #tpu.memory_space<vmem>>
      %gather3A_789 = tpu.vector_load_idx %gather3A_788[%add3A_783, %broadcast_in_dim3A_769] : memref<32x128xf32, #tpu.memory_space<vmem>>[vector<16xi32>, vector<16xi32>], vector<16xf32>,
      tpu.vector_store_idx %arg7[%iota3A, %broadcast_in_dim3A_774], %gather3A_780 : memref<32x512xf32, #tpu.memory_space<vmem>>[vector<16xi32>, vector<16xi32>], vector<16xf32>,
      %add3A_790 = arith.constant 16 : i32
      %add3A_791 = vector.broadcast %add3A_790 : i32 to vector<16xi32>
      %add3A_792 = arith.addi %iota3A, %add3A_791 : vector<16xi32>
      tpu.vector_store_idx %arg7[%add3A_792, %broadcast_in_dim3A_774], %gather3A_789 : memref<32x512xf32, #tpu.memory_space<vmem>>[vector<16xi32>, vector<16xi32>], vector<16xf32>,
      %slice3A_793 = vector.extract_strided_slice %and3A_17 {offsets = [11], sizes = [1], strides = [1]} : vector<16xi32> to vector<1xi32>
      %squeeze3A_794 = vector.extract %slice3A_793[0] : i32 from vector<1xi32>
      %broadcast_in_dim3A_795 = vector.broadcast %squeeze3A_794 : i32 to vector<16xi32>
      %mul3A_796 = arith.constant 16 : i32
      %mul3A_797 = arith.muli %scan3A_9, %mul3A_796 : i32
      %add3A_798 = arith.constant 11 : i32
      %add3A_799 = arith.addi %mul3A_797, %add3A_798 : i32
      %broadcast_in_dim3A_800 = vector.broadcast %add3A_799 : i32 to vector<16xi32>
      %gather3A_801 = arith.constant 11 : i32
      %gather3A_802 = arith.constant 0 : i32
      %gather3A_803 = arith.constant 0 : i32
      %gather3A_804 = tpu.memref_slice %arg6[%gather3A_801, %gather3A_802, %gather3A_803] : memref<16x32x128xf32, #tpu.memory_space<vmem>> -> memref<1x32x128xf32, #tpu.memory_space<vmem>>
      %gather3A_805 = tpu.memref_squeeze %gather3A_804 : memref<1x32x128xf32, #tpu.memory_space<vmem>> -> memref<32x128xf32, #tpu.memory_space<vmem>>
      %gather3A_806 = tpu.vector_load_idx %gather3A_805[%iota3A, %broadcast_in_dim3A_795] : memref<32x128xf32, #tpu.memory_space<vmem>>[vector<16xi32>, vector<16xi32>], vector<16xf32>,
      %add3A_807 = arith.constant 16 : i32
      %add3A_808 = vector.broadcast %add3A_807 : i32 to vector<16xi32>
      %add3A_809 = arith.addi %iota3A, %add3A_808 : vector<16xi32>
      %gather3A_810 = arith.constant 11 : i32
      %gather3A_811 = arith.constant 0 : i32
      %gather3A_812 = arith.constant 0 : i32
      %gather3A_813 = tpu.memref_slice %arg6[%gather3A_810, %gather3A_811, %gather3A_812] : memref<16x32x128xf32, #tpu.memory_space<vmem>> -> memref<1x32x128xf32, #tpu.memory_space<vmem>>
      %gather3A_814 = tpu.memref_squeeze %gather3A_813 : memref<1x32x128xf32, #tpu.memory_space<vmem>> -> memref<32x128xf32, #tpu.memory_space<vmem>>
      %gather3A_815 = tpu.vector_load_idx %gather3A_814[%add3A_809, %broadcast_in_dim3A_795] : memref<32x128xf32, #tpu.memory_space<vmem>>[vector<16xi32>, vector<16xi32>], vector<16xf32>,
      tpu.vector_store_idx %arg7[%iota3A, %broadcast_in_dim3A_800], %gather3A_806 : memref<32x512xf32, #tpu.memory_space<vmem>>[vector<16xi32>, vector<16xi32>], vector<16xf32>,
      %add3A_816 = arith.constant 16 : i32
      %add3A_817 = vector.broadcast %add3A_816 : i32 to vector<16xi32>
      %add3A_818 = arith.addi %iota3A, %add3A_817 : vector<16xi32>
      tpu.vector_store_idx %arg7[%add3A_818, %broadcast_in_dim3A_800], %gather3A_815 : memref<32x512xf32, #tpu.memory_space<vmem>>[vector<16xi32>, vector<16xi32>], vector<16xf32>,
      %slice3A_819 = vector.extract_strided_slice %and3A_17 {offsets = [12], sizes = [1], strides = [1]} : vector<16xi32> to vector<1xi32>
      %squeeze3A_820 = vector.extract %slice3A_819[0] : i32 from vector<1xi32>
      %broadcast_in_dim3A_821 = vector.broadcast %squeeze3A_820 : i32 to vector<16xi32>
      %mul3A_822 = arith.constant 16 : i32
      %mul3A_823 = arith.muli %scan3A_9, %mul3A_822 : i32
      %add3A_824 = arith.constant 12 : i32
      %add3A_825 = arith.addi %mul3A_823, %add3A_824 : i32
      %broadcast_in_dim3A_826 = vector.broadcast %add3A_825 : i32 to vector<16xi32>
      %gather3A_827 = arith.constant 12 : i32
      %gather3A_828 = arith.constant 0 : i32
      %gather3A_829 = arith.constant 0 : i32
      %gather3A_830 = tpu.memref_slice %arg6[%gather3A_827, %gather3A_828, %gather3A_829] : memref<16x32x128xf32, #tpu.memory_space<vmem>> -> memref<1x32x128xf32, #tpu.memory_space<vmem>>
      %gather3A_831 = tpu.memref_squeeze %gather3A_830 : memref<1x32x128xf32, #tpu.memory_space<vmem>> -> memref<32x128xf32, #tpu.memory_space<vmem>>
      %gather3A_832 = tpu.vector_load_idx %gather3A_831[%iota3A, %broadcast_in_dim3A_821] : memref<32x128xf32, #tpu.memory_space<vmem>>[vector<16xi32>, vector<16xi32>], vector<16xf32>,
      %add3A_833 = arith.constant 16 : i32
      %add3A_834 = vector.broadcast %add3A_833 : i32 to vector<16xi32>
      %add3A_835 = arith.addi %iota3A, %add3A_834 : vector<16xi32>
      %gather3A_836 = arith.constant 12 : i32
      %gather3A_837 = arith.constant 0 : i32
      %gather3A_838 = arith.constant 0 : i32
      %gather3A_839 = tpu.memref_slice %arg6[%gather3A_836, %gather3A_837, %gather3A_838] : memref<16x32x128xf32, #tpu.memory_space<vmem>> -> memref<1x32x128xf32, #tpu.memory_space<vmem>>
      %gather3A_840 = tpu.memref_squeeze %gather3A_839 : memref<1x32x128xf32, #tpu.memory_space<vmem>> -> memref<32x128xf32, #tpu.memory_space<vmem>>
      %gather3A_841 = tpu.vector_load_idx %gather3A_840[%add3A_835, %broadcast_in_dim3A_821] : memref<32x128xf32, #tpu.memory_space<vmem>>[vector<16xi32>, vector<16xi32>], vector<16xf32>,
      tpu.vector_store_idx %arg7[%iota3A, %broadcast_in_dim3A_826], %gather3A_832 : memref<32x512xf32, #tpu.memory_space<vmem>>[vector<16xi32>, vector<16xi32>], vector<16xf32>,
      %add3A_842 = arith.constant 16 : i32
      %add3A_843 = vector.broadcast %add3A_842 : i32 to vector<16xi32>
      %add3A_844 = arith.addi %iota3A, %add3A_843 : vector<16xi32>
      tpu.vector_store_idx %arg7[%add3A_844, %broadcast_in_dim3A_826], %gather3A_841 : memref<32x512xf32, #tpu.memory_space<vmem>>[vector<16xi32>, vector<16xi32>], vector<16xf32>,
      %slice3A_845 = vector.extract_strided_slice %and3A_17 {offsets = [13], sizes = [1], strides = [1]} : vector<16xi32> to vector<1xi32>
      %squeeze3A_846 = vector.extract %slice3A_845[0] : i32 from vector<1xi32>
      %broadcast_in_dim3A_847 = vector.broadcast %squeeze3A_846 : i32 to vector<16xi32>
      %mul3A_848 = arith.constant 16 : i32
      %mul3A_849 = arith.muli %scan3A_9, %mul3A_848 : i32
      %add3A_850 = arith.constant 13 : i32
      %add3A_851 = arith.addi %mul3A_849, %add3A_850 : i32
      %broadcast_in_dim3A_852 = vector.broadcast %add3A_851 : i32 to vector<16xi32>
      %gather3A_853 = arith.constant 13 : i32
      %gather3A_854 = arith.constant 0 : i32
      %gather3A_855 = arith.constant 0 : i32
      %gather3A_856 = tpu.memref_slice %arg6[%gather3A_853, %gather3A_854, %gather3A_855] : memref<16x32x128xf32, #tpu.memory_space<vmem>> -> memref<1x32x128xf32, #tpu.memory_space<vmem>>
      %gather3A_857 = tpu.memref_squeeze %gather3A_856 : memref<1x32x128xf32, #tpu.memory_space<vmem>> -> memref<32x128xf32, #tpu.memory_space<vmem>>
      %gather3A_858 = tpu.vector_load_idx %gather3A_857[%iota3A, %broadcast_in_dim3A_847] : memref<32x128xf32, #tpu.memory_space<vmem>>[vector<16xi32>, vector<16xi32>], vector<16xf32>,
      %add3A_859 = arith.constant 16 : i32
      %add3A_860 = vector.broadcast %add3A_859 : i32 to vector<16xi32>
      %add3A_861 = arith.addi %iota3A, %add3A_860 : vector<16xi32>
      %gather3A_862 = arith.constant 13 : i32
      %gather3A_863 = arith.constant 0 : i32
      %gather3A_864 = arith.constant 0 : i32
      %gather3A_865 = tpu.memref_slice %arg6[%gather3A_862, %gather3A_863, %gather3A_864] : memref<16x32x128xf32, #tpu.memory_space<vmem>> -> memref<1x32x128xf32, #tpu.memory_space<vmem>>
      %gather3A_866 = tpu.memref_squeeze %gather3A_865 : memref<1x32x128xf32, #tpu.memory_space<vmem>> -> memref<32x128xf32, #tpu.memory_space<vmem>>
      %gather3A_867 = tpu.vector_load_idx %gather3A_866[%add3A_861, %broadcast_in_dim3A_847] : memref<32x128xf32, #tpu.memory_space<vmem>>[vector<16xi32>, vector<16xi32>], vector<16xf32>,
      tpu.vector_store_idx %arg7[%iota3A, %broadcast_in_dim3A_852], %gather3A_858 : memref<32x512xf32, #tpu.memory_space<vmem>>[vector<16xi32>, vector<16xi32>], vector<16xf32>,
      %add3A_868 = arith.constant 16 : i32
      %add3A_869 = vector.broadcast %add3A_868 : i32 to vector<16xi32>
      %add3A_870 = arith.addi %iota3A, %add3A_869 : vector<16xi32>
      tpu.vector_store_idx %arg7[%add3A_870, %broadcast_in_dim3A_852], %gather3A_867 : memref<32x512xf32, #tpu.memory_space<vmem>>[vector<16xi32>, vector<16xi32>], vector<16xf32>,
      %slice3A_871 = vector.extract_strided_slice %and3A_17 {offsets = [14], sizes = [1], strides = [1]} : vector<16xi32> to vector<1xi32>
      %squeeze3A_872 = vector.extract %slice3A_871[0] : i32 from vector<1xi32>
      %broadcast_in_dim3A_873 = vector.broadcast %squeeze3A_872 : i32 to vector<16xi32>
      %mul3A_874 = arith.constant 16 : i32
      %mul3A_875 = arith.muli %scan3A_9, %mul3A_874 : i32
      %add3A_876 = arith.constant 14 : i32
      %add3A_877 = arith.addi %mul3A_875, %add3A_876 : i32
      %broadcast_in_dim3A_878 = vector.broadcast %add3A_877 : i32 to vector<16xi32>
      %gather3A_879 = arith.constant 14 : i32
      %gather3A_880 = arith.constant 0 : i32
      %gather3A_881 = arith.constant 0 : i32
      %gather3A_882 = tpu.memref_slice %arg6[%gather3A_879, %gather3A_880, %gather3A_881] : memref<16x32x128xf32, #tpu.memory_space<vmem>> -> memref<1x32x128xf32, #tpu.memory_space<vmem>>
      %gather3A_883 = tpu.memref_squeeze %gather3A_882 : memref<1x32x128xf32, #tpu.memory_space<vmem>> -> memref<32x128xf32, #tpu.memory_space<vmem>>
      %gather3A_884 = tpu.vector_load_idx %gather3A_883[%iota3A, %broadcast_in_dim3A_873] : memref<32x128xf32, #tpu.memory_space<vmem>>[vector<16xi32>, vector<16xi32>], vector<16xf32>,
      %add3A_885 = arith.constant 16 : i32
      %add3A_886 = vector.broadcast %add3A_885 : i32 to vector<16xi32>
      %add3A_887 = arith.addi %iota3A, %add3A_886 : vector<16xi32>
      %gather3A_888 = arith.constant 14 : i32
      %gather3A_889 = arith.constant 0 : i32
      %gather3A_890 = arith.constant 0 : i32
      %gather3A_891 = tpu.memref_slice %arg6[%gather3A_888, %gather3A_889, %gather3A_890] : memref<16x32x128xf32, #tpu.memory_space<vmem>> -> memref<1x32x128xf32, #tpu.memory_space<vmem>>
      %gather3A_892 = tpu.memref_squeeze %gather3A_891 : memref<1x32x128xf32, #tpu.memory_space<vmem>> -> memref<32x128xf32, #tpu.memory_space<vmem>>
      %gather3A_893 = tpu.vector_load_idx %gather3A_892[%add3A_887, %broadcast_in_dim3A_873] : memref<32x128xf32, #tpu.memory_space<vmem>>[vector<16xi32>, vector<16xi32>], vector<16xf32>,
      tpu.vector_store_idx %arg7[%iota3A, %broadcast_in_dim3A_878], %gather3A_884 : memref<32x512xf32, #tpu.memory_space<vmem>>[vector<16xi32>, vector<16xi32>], vector<16xf32>,
      %add3A_894 = arith.constant 16 : i32
      %add3A_895 = vector.broadcast %add3A_894 : i32 to vector<16xi32>
      %add3A_896 = arith.addi %iota3A, %add3A_895 : vector<16xi32>
      tpu.vector_store_idx %arg7[%add3A_896, %broadcast_in_dim3A_878], %gather3A_893 : memref<32x512xf32, #tpu.memory_space<vmem>>[vector<16xi32>, vector<16xi32>], vector<16xf32>,
      %slice3A_897 = vector.extract_strided_slice %and3A_17 {offsets = [15], sizes = [1], strides = [1]} : vector<16xi32> to vector<1xi32>
      %squeeze3A_898 = vector.extract %slice3A_897[0] : i32 from vector<1xi32>
      %broadcast_in_dim3A_899 = vector.broadcast %squeeze3A_898 : i32 to vector<16xi32>
      %mul3A_900 = arith.constant 16 : i32
      %mul3A_901 = arith.muli %scan3A_9, %mul3A_900 : i32
      %add3A_902 = arith.constant 15 : i32
      %add3A_903 = arith.addi %mul3A_901, %add3A_902 : i32
      %broadcast_in_dim3A_904 = vector.broadcast %add3A_903 : i32 to vector<16xi32>
      %gather3A_905 = arith.constant 15 : i32
      %gather3A_906 = arith.constant 0 : i32
      %gather3A_907 = arith.constant 0 : i32
      %gather3A_908 = tpu.memref_slice %arg6[%gather3A_905, %gather3A_906, %gather3A_907] : memref<16x32x128xf32, #tpu.memory_space<vmem>> -> memref<1x32x128xf32, #tpu.memory_space<vmem>>
      %gather3A_909 = tpu.memref_squeeze %gather3A_908 : memref<1x32x128xf32, #tpu.memory_space<vmem>> -> memref<32x128xf32, #tpu.memory_space<vmem>>
      %gather3A_910 = tpu.vector_load_idx %gather3A_909[%iota3A, %broadcast_in_dim3A_899] : memref<32x128xf32, #tpu.memory_space<vmem>>[vector<16xi32>, vector<16xi32>], vector<16xf32>,
      %add3A_911 = arith.constant 16 : i32
      %add3A_912 = vector.broadcast %add3A_911 : i32 to vector<16xi32>
      %add3A_913 = arith.addi %iota3A, %add3A_912 : vector<16xi32>
      %gather3A_914 = arith.constant 15 : i32
      %gather3A_915 = arith.constant 0 : i32
      %gather3A_916 = arith.constant 0 : i32
      %gather3A_917 = tpu.memref_slice %arg6[%gather3A_914, %gather3A_915, %gather3A_916] : memref<16x32x128xf32, #tpu.memory_space<vmem>> -> memref<1x32x128xf32, #tpu.memory_space<vmem>>
      %gather3A_918 = tpu.memref_squeeze %gather3A_917 : memref<1x32x128xf32, #tpu.memory_space<vmem>> -> memref<32x128xf32, #tpu.memory_space<vmem>>
      %gather3A_919 = tpu.vector_load_idx %gather3A_918[%add3A_913, %broadcast_in_dim3A_899] : memref<32x128xf32, #tpu.memory_space<vmem>>[vector<16xi32>, vector<16xi32>], vector<16xf32>,
      tpu.vector_store_idx %arg7[%iota3A, %broadcast_in_dim3A_904], %gather3A_910 : memref<32x512xf32, #tpu.memory_space<vmem>>[vector<16xi32>, vector<16xi32>], vector<16xf32>,
      %add3A_920 = arith.constant 16 : i32
      %add3A_921 = vector.broadcast %add3A_920 : i32 to vector<16xi32>
      %add3A_922 = arith.addi %iota3A, %add3A_921 : vector<16xi32>
      tpu.vector_store_idx %arg7[%add3A_922, %broadcast_in_dim3A_904], %gather3A_919 : memref<32x512xf32, #tpu.memory_space<vmem>>[vector<16xi32>, vector<16xi32>], vector<16xf32>,
      %scan3A_923 = arith.constant 0 : i32
      scf.yield %scan3A_923 : i32
    }
    %scan3A_8 = arith.constant 32 : i32
    "tpu.region"() ({
      %run_scoped3A = tpu.sem_alloc : memref<!tpu.dma_semaphore, #tpu.memory_space<semaphore_mem>>
      %dma_start3A = arith.constant 0 : i32
      %dma_start3A_9 = tpu.memref_slice %arg4[%dma_start3A, %mul3A_2] : memref<32x16384xf32, #tpu.memory_space<hbm>> -> memref<32x512xf32, #tpu.memory_space<hbm>>
      %dma_start3A_10 = arith.constant 0 : i32
      %dma_start3A_11 = tpu.memref_slice %arg4[%dma_start3A_10, %mul3A_2] : memref<32x16384xf32, #tpu.memory_space<hbm>> -> memref<32x512xf32, #tpu.memory_space<hbm>>
      tpu.enqueue_dma source(%arg7 : memref<32x512xf32, #tpu.memory_space<vmem>>) target(%dma_start3A_11 : memref<32x512xf32, #tpu.memory_space<hbm>>) target_semaphore(%run_scoped3A : memref<!tpu.dma_semaphore, #tpu.memory_space<semaphore_mem>>)
      %dma_wait3A = arith.constant 0 : i32
      %dma_wait3A_12 = tpu.memref_slice %arg4[%dma_wait3A, %mul3A_2] : memref<32x16384xf32, #tpu.memory_space<hbm>> -> memref<32x512xf32, #tpu.memory_space<hbm>>
      %dma_wait3A_13 = arith.constant 0 : i32
      %dma_wait3A_14 = tpu.memref_slice %arg4[%dma_wait3A_13, %mul3A_2] : memref<32x16384xf32, #tpu.memory_space<hbm>> -> memref<32x512xf32, #tpu.memory_space<hbm>>
      tpu.wait_dma2 semaphore(%run_scoped3A : memref<!tpu.dma_semaphore, #tpu.memory_space<semaphore_mem>>) src(%arg7 : memref<32x512xf32, #tpu.memory_space<vmem>>) dst(%dma_wait3A_14 : memref<32x512xf32, #tpu.memory_space<hbm>>)
      tpu.yield
    }) : () -> ()
    return
  }
}

</mosaic_0001>

<sc_bundles>
// kernel: kernel.3.cloned.1.call-start
scs
__scs_entry_jumppad:
0x0: {  	(pc) =	sbr.rel $0x88, $3  }
0x1: {  	(tag) =	ssettag $0x0;
	lr =	simm.s32 $0x1  }
0x2: {  	[smem:$0x3F9F] =	sst lr;
	_ =	strace $0xD0000000  }
0x3: {  	_ = 	snop  }
0x4: {  	_ = 	snop  }
0x5: {  	_ = 	snop  }
0x6: {  	_ = 	snop  }
0x7: {  	_ = 	snop  }
__scs_overlays_trampoline_lowered:
0x8: {  	[smem:$0x3FAE] =	sst s0  }
0x9: {  	[smem:$0x3FAF] =	sst s1  }
0xa: {  	[smem:$0x3FB0] =	sst s2  }
0xb: {  	[smem:$0x3FB1] =	sst s3  }
0xc: {  	[smem:$0x3FB2] =	sst s4  }
0xd: {  	[smem:$0x3FB3] =	sst s5  }
0xe: {  	[smem:$0x3FB4] =	sst s6  }
0xf: {  	[smem:$0x3FB5] =	sst s7  }
0x10: {  	[smem:$0x3FB6] =	sst s8  }
0x11: {  	[smem:$0x3FB7] =	sst s9;
	s0 =	simm.s32 @!p0 $0x0  }
0x12: {  	s1 =	sld [smem:$0x3F9D];
	s0 =	simm.s32 @p0 $0x1  }
0x13: {  	[smem:$0x3FB8] =	sst s0;
	s0 =	simm.s32 @!p1 $0x0  }
0x14: {  	s2 =	sld [smem:$0x3F9C];
	s0 =	simm.s32 @p1 $0x1  }
0x15: {  	[smem:$0x3FB9] =	sst s0;
	s0 =	simm.s32 @!p2 $0x0  }
0x16: {  	s3 =	sld [smem:$0x3FDB];
	s0 =	simm.s32 @p2 $0x1  }
0x17: {  	s4 =	simm.s32 $0x1BF5;
	[smem:$0x3FBB] =	sst s0  }
0x18: {  	s0 =	sld [smem:$0x3F9E];
	_ =	swait.ge [sflag:s4], $0x0  }
0x19: {  	s7 =	sld [smem:$0x3F9F]  }
0x1a: {  	s8 =	sadd.s32 $0xFFFFE003, lr  }
0x1b: {  	s9 =	sadd.s32 $0xFFFFFEF7, lr;
	s5 =	simm.s32 $0xFFFFFFFF;
	p2 =	slt.u32 s8, $0xFFFFF086  }
0x1c: {  	p1 =	slt.u32 s9, $0xF7A;
	s5 =	simm.s32 @!p2 $0x0  }
0x1d: {  	s5 =	simm.s32 @p1 $0x1;
	p0 =	seq.s32 s7, s2  }
0x1e: {  	s7 =	smul.u32 @!p0 $0xF7A, s2;
	p2 =	seq.s32 @!p0 s5, $0x0  }
0x1f: {  	s9 =	smul.u32 $0xF7A, s1;
	s8 =	simm.s32 @!p0 $0x1BF5;
	p2 =	por !p2, p0  }
0x20: {  	[sflag:s8] =	ssyncset.s32 @!p0 $0xFFFFF086;
	s6 =	sadd.s32 @!p0 s3, s7;
	s7 =	simm.s32 @!p0 $0x108  }
0x21: {  	s3 =	sadd.s32 s3, s9;
	s6 =	sadd.s32 @!p0 $0x88, s6;
	s7 =	simm.s32 @p2 $0x1082  }
0x22: {  	[simem:s7], [sflag:s8] =	dma.local @!p0 [hbm:s6], $0xF7A  }
0x23: {  	s9 =	sor.u32 $0xD0000000, s2;
	s6 =	simm.s32 $0x108;
	_ =	swait.ge @!p0 [sflag:s8], $0x0  }
0x24: {  	s3 =	sadd.s32 $0x88, s3;
	s6 =	simm.s32 @!p1 $0x1082;
	[sflag:s4] =	ssyncset.s32 $0xFFFFF086  }
0x25: {  	[simem:s6], [sflag:s4] =	dma.local [hbm:s3], $0xF7A  }
0x26: {  	[smem:$0x3F9F] =	sst s1;
	(tag) =	ssettag s2;
	_ =	strace s9  }
0x27: {  	s1 =	sld [smem:$0x3FAF]  }
0x28: {  	s2 =	sld [smem:$0x3FB0]  }
0x29: {  	s4 =	sld [smem:$0x3FB2]  }
0x2a: {  	p0 =	seq.s32 s5, $0x0;
	s5 =	sld [smem:$0x3FB3]  }
0x2b: {  	s6 =	sld [smem:$0x3FB4]  }
0x2c: {  	s7 =	sld [smem:$0x3FB5]  }
0x2d: {  	s3 =	simm.s32 $0x108;
	s8 =	sld [smem:$0x3FB6]  }
0x2e: {  	s3 =	simm.s32 @!p0 $0x1082;
	s9 =	sld [smem:$0x3FB7]  }
0x2f: {  	lr =	sadd.s32 s0, s3;
	s0 =	sld [smem:$0x3FAE]  }
0x30: {  	s3 =	sld [smem:$0x3FB1]  }
0x31: {  	[smem:$0x3FBA] =	sst s10  }
0x32: {  	s10 =	sld [smem:$0x3FB8];
	_ =	sdelay $0x3  }
0x33: {  	p0 =	seq.s32 s10, $0x1;
	s10 =	sld [smem:$0x3FBA];
	_ =	sdelay $0x3  }
0x34: {  	[smem:$0x3FBA] =	sst s10  }
0x35: {  	s10 =	sld [smem:$0x3FB9];
	_ =	sdelay $0x3  }
0x36: {  	p1 =	seq.s32 s10, $0x1;
	s10 =	sld [smem:$0x3FBA];
	_ =	sdelay $0x3  }
0x37: {  	[smem:$0x3FBA] =	sst s10  }
0x38: {  	s10 =	sld [smem:$0x3FBB]  }
0x39: {  	_ = 	snop;
	(pc) =	sbr.ind lr, $3  }
0x3a: {  	_ = 	snop  }
0x3b: {  	_ = 	snop  }
0x3c: {  	p2 =	seq.s32 s10, $0x1;
	s10 =	sld [smem:$0x3FBA]  }
0x3d: {  	_ =	shalt  }
0x3e: {  	_ =	shalt  }
0x3f: {  	_ =	shalt  }
0x40: {  	_ =	shalt  }
0x41: {  	_ =	shalt  }
0x42: {  	_ =	shalt  }
0x43: {  	_ =	shalt  }
0x44: {  	_ =	shalt  }
0x45: {  	_ =	shalt  }
0x46: {  	_ =	shalt  }
0x47: {  	_ =	shalt  }
0x48: {  	_ =	shalt  }
0x49: {  	_ =	shalt  }
0x4a: {  	_ =	shalt  }
0x4b: {  	_ =	shalt  }
0x4c: {  	_ =	shalt  }
0x4d: {  	_ =	shalt  }
0x4e: {  	_ =	shalt  }
0x4f: {  	_ =	shalt  }
0x50: {  	_ =	shalt  }
0x51: {  	_ =	shalt  }
0x52: {  	_ =	shalt  }
0x53: {  	_ =	shalt  }
0x54: {  	_ =	shalt  }
0x55: {  	_ =	shalt  }
0x56: {  	_ =	shalt  }
0x57: {  	_ =	shalt  }
0x58: {  	_ =	shalt  }
0x59: {  	_ =	shalt  }
0x5a: {  	_ =	shalt  }
0x5b: {  	_ =	shalt  }
0x5c: {  	_ =	shalt  }
0x5d: {  	_ =	shalt  }
0x5e: {  	_ =	shalt  }
0x5f: {  	_ =	shalt  }
0x60: {  	_ =	shalt  }
0x61: {  	_ =	shalt  }
0x62: {  	_ =	shalt  }
0x63: {  	_ =	shalt  }
0x64: {  	_ =	shalt  }
0x65: {  	_ =	shalt  }
0x66: {  	_ =	shalt  }
0x67: {  	_ =	shalt  }
0x68: {  	_ =	shalt  }
0x69: {  	_ =	shalt  }
0x6a: {  	_ =	shalt  }
0x6b: {  	_ =	shalt  }
0x6c: {  	_ =	shalt  }
0x6d: {  	_ =	shalt  }
0x6e: {  	_ =	shalt  }
0x6f: {  	_ =	shalt  }
0x70: {  	_ =	shalt  }
0x71: {  	_ =	shalt  }
0x72: {  	_ =	shalt  }
0x73: {  	_ =	shalt  }
0x74: {  	_ =	shalt  }
0x75: {  	_ =	shalt  }
0x76: {  	_ =	shalt  }
0x77: {  	_ =	shalt  }
0x78: {  	_ =	shalt  }
0x79: {  	_ =	shalt  }
0x7a: {  	_ =	shalt  }
0x7b: {  	_ =	shalt  }
0x7c: {  	_ =	shalt  }
0x7d: {  	_ =	shalt  }
0x7e: {  	_ =	shalt  }
0x7f: {  	_ =	shalt  }
0x80: {  	_ =	shalt  }
0x81: {  	_ =	shalt  }
0x82: {  	_ =	shalt  }
0x83: {  	_ =	shalt  }
0x84: {  	_ =	shalt  }
0x85: {  	_ =	shalt  }
0x86: {  	_ =	shalt  }
0x87: {  	_ =	shalt  }
.Lfunc_end0:
.L_simem_size_0:
called_computation_lowered:
.L_overlay_start_0:
0x88: {  	s2 =	sld [smem:$0x3FD9]  }
0x89: {  	s3 =	sld [smem:$0x3FFE];
	_ =	sdelay $0x1  }
0x8a: {  	s1 =	srdreg.scid  }
0x8b: {  	s0 =	sand.u32 $0x1, s1  }
0x8c: {  	s18 =	sshll.u32 s0, $0xA;
	s2 =	sadd.s32 s3, s2  }
0x8d: {  	s2 =	sadd.s32 s2, s18  }
0x8e: {  	[smem:$0x3FC6] =	sst s2  }
0x8f: {  	_ = 	snop  }
0x90: {  	s2 =	sld [smem:$0x3FC9]  }
0x91: {  	s19 =	sld [smem:$0x3FC8]  }
0x92: {  	s4 =	sld [smem:$0x3FD0];
	(tm) =	ssettm $0x1  }
0x93: {  	s5 =	sld [smem:$0x3FFB];
	_ =	sdelay $0x3  }
0x94: {  	_ =	strace s5  }
0x95: {  	s5 =	sld [smem:$0x3FFC];
	_ =	sdelay $0x3  }
0x96: {  	_ =	strace s5  }
0x97: {  	s5 =	sld [smem:$0x3FFD];
	_ =	sdelay $0x3  }
0x98: {  	_ =	strace s5  }
0x99: {  	_ =	strace $0x8FFFFFFF  }
0x9a: {  	s20 =	sld [smem:$0x3FDB];
	_ =	sdelay $0x1  }
0x9b: {  	s6 =	simm.s32 $_scs_section_size  }
0x9c: {  	s7 =	simm.s32 $_size__tile_overlayer_lowered;
	s8 =	simm.s32 $_tile_overlayer_lowered  }
0x9d: {  	s23 =	simm.s32 $0x1BFF;
	s22 =	sshll.u32 s8, $0x1;
	s5 =	sadd.s32 s6, s20  }
0x9e: {  	s9 =	simm.s32 $0x0;
	s21 =	sshll.u32 s7, $0x1;
	s7 =	sadd.s32 s22, s5  }
0x9f: {  	[timem:s9], [sflag:s23] =	dma.local [hbm:s7], s21  }
0xa0: {  	_ =	swait.ge [sflag:s23], s21  }
0xa1: {  	s6 =	ssub.s32 $0x0, s21;
	[sflag:s23] =	ssyncset.done $0x0  }
0xa2: {  	[sflag:s23] =	ssyncadd.s32 s6;
	_ =	sdelay $0x1  }
0xa3: {  	s24 =	simm.s32 $0x1B8B  }
0xa4: {  	_ =	swait.ge [sflag:s24], $0x1  }
0xa5: {  	[sflag:s24] =	ssyncset.done $0x0  }
0xa6: {  	s25 =	simm.s32 $0x1B8E;
	[sflag:s24] =	ssyncadd.s32 $0xFFFFFFFF  }
0xa7: {  	s26 =	simm.s32 $execute0_lowered;
	[smem:$0x3FD2] =	sst s25  }
0xa8: {  	s6 =	sshll.u32 s26, $0x1;
	_ =	strace $0x80000046;
	[dreg:$0x1] =	wrdreg $0xFFFFFFFF  }
0xa9: {  	s28 =	simm.s32 $_size_execute0_lowered;
	s5 =	sadd.s32 s5, s6;
	[dreg:$0x0] =	wrdreg $0x0  }
0xaa: {  	s6 =	sshll.u32 s28, $0x1;
	[dreg:$0x2] =	wrdreg s5  }
0xab: {  	[dreg:$0x3] =	wrdreg s6  }
0xac: {  	[dreg:$0x4] =	wrdreg $0xC0  }
0xad: {  	_ =	task [dreg:s9], $0x5FFFF  }
0xae: {  	[dreg:$0x1] =	wrdreg $0xFFFFFFFF  }
0xaf: {  	[dreg:$0x0] =	wrdreg $0x60  }
0xb0: {  	[dreg:$0x2] =	wrdreg s2  }
0xb1: {  	[dreg:$0x3] =	wrdreg s19  }
0xb2: {  	[dreg:$0x4] =	wrdreg s4  }
0xb3: {  	[dreg:$0x5] =	wrdreg $0x9  }
0xb4: {  	_ =	task.clear_ibuf [dreg:s9], $0x6FFFF;
	_ =	strace $0x90000046  }
0xb5: {  	s29 =	simm.s32 $0x9;
	_ =	strace $0x80000048  }
0xb6: {  	_ =	swait.ge [sflag:s29], $0x1  }
0xb7: {  	[sflag:s29] =	ssyncadd.s32 $0xFFFFFFFF  }
0xb8: {  	_ =	strace $0x90000048  }
0xb9: {  	_ =	sfence  }
0xba: {  	s30 =	sld [smem:$0x0];
	_ =	sdelay $0x2  }
0xbb: {  	s31 =	sshll.u32 s1, $0xD;
	s1 =	sshrl.u32 s1, $0x2  }
0xbc: {  	s3 =	sand.u32 $0x4000, s31;
	s1 =	sadd.s32 s1, s30  }
0xbd: {  	s0 =	sor.u32 s3, s0;
	s1 =	sshll.u32 s1, $0x11  }
0xbe: {  	s0 =	sor.u32 s1, s0  }
0xbf: {  	s0 =	sadd.s32 $0x8F2B, s0  }
0xc0: {  	[sflag:s0] =	ssyncadd.remote.s32 $0x1  }
0xc1: {  	_ =	sfence.sel $0xFFFF  }
0xc2: {  	[dreg:$0x0] =	wrdreg $0xFFFFFFFF;
	(pc) =	sbr.abs _section_cstart, $3  }
0xc3: {  	[dreg:$0x1] =	wrdreg $0xFFFFFFFF  }
0xc4: {  	_ =	task.clear_ibuf [dreg:s9], $0x2FFFF;
	_ =	strace $0x9FFFFFFF  }
0xc5: {  	(tm) =	ssettm $0x7FFFFFFF  }
tec
execute0_lowered:
.L_overlay_start_1:
0x0: {  	(tag) =	ssettag $0x1  }
0x1: {  	v1 =	vimm.s32 $0x1380;
	vm0 =	vcmask $0x300  }
0x2: {  	s0 =	rddreg [dreg:$0x0];
	v2 =	vimm.s32 $0x3380;
	vm1 =	vcmask $0x704;
	vm15 =	vcmask $0xB08  }
0x3: {  	s1 =	rddreg [dreg:$0x1];
	vm4 =	vcmask $0xF0C;
	v1 =	vsel vm0, $0x0, v1;
	v2 =	vsel vm0, $0x2000, v2  }
0x4: {  	s2 =	rddreg [dreg:$0x2];
	vm5 =	vcmask $0x1310;
	v1 =	vsel vm1, $0x80, v1;
	v2 =	vsel vm1, $0x2080, v2  }
0x5: {  	s4 =	srdreg.scid;
	s7 =	simm.s32 $0x0;
	s3 =	stileid.u32;
	vm6 =	vcmask $0x1714;
	v1 =	vsel vm15, $0x100, v1;
	v2 =	vsel vm15, $0x2100, v2  }
0x6: {  	v0 =	vlaneseq.u32;
	s8 =	simm.s32 $0x400;
	s9 =	simm.s32 $0x7A1400;
	s10 =	simm.s32 $0x200;
	v1 =	vsel vm4, $0x180, v1;
	v2 =	vsel vm4, $0x2180, v2  }
0x7: {  	vm7 =	vcmask $0x1B18;
	s11 =	simm.s32 $0x1200;
	s12 =	simm.s32 $0x2200;
	s13 =	simm.s32 $0x3200;
	v1 =	vsel vm5, $0x200, v1;
	v2 =	vsel vm5, $0x2200, v2  }
0x8: {  	vm8 =	vcmask $0x1F1C;
	s14 =	simm.s32 $0x4200;
	s15 =	simm.s32 $0x5200;
	s16 =	simm.s32 $0x6200;
	v1 =	vsel vm6, $0x280, v1;
	v2 =	vsel vm6, $0x2280, v2  }
0x9: {  	vm9 =	vcmask $0x2320;
	s17 =	simm.s32 $0x7200;
	s18 =	simm.s32 $0x8200;
	s19 =	simm.s32 $0x9200;
	v1 =	vsel vm7, $0x300, v1;
	v2 =	vsel vm7, $0x2300, v2  }
0xa: {  	vm10 =	vcmask $0x2724;
	s20 =	simm.s32 $0xA200;
	s21 =	simm.s32 $0xB200;
	s22 =	simm.s32 $0xC200;
	v1 =	vsel vm8, $0x380, v1;
	v2 =	vsel vm8, $0x2380, v2  }
0xb: {  	vm11 =	vcmask $0x2B28;
	s23 =	simm.s32 $0xD200;
	s24 =	simm.s32 $0xE200;
	s25 =	simm.s32 $0xF200;
	v1 =	vsel vm9, $0x1000, v1;
	v2 =	vsel vm9, $0x3000, v2  }
0xc: {  	vm12 =	vcmask $0x2F2C;
	s26 =	simm.s32 $0x1;
	s28 =	simm.s32 $0x10200;
	s4 =	sand.u32 $0x1, s4;
	v1 =	vsel vm10, $0x1080, v1;
	v2 =	vsel vm10, $0x3080, v2  }
0xd: {  	vm13 =	vcmask $0x3330;
	s6 =	sshll.u32 s3, $0xA;
	s5 =	ssub.s32 $0x2, s4;
	s4 =	sshll.u32 s4, $0x9;
	v1 =	vsel vm11, $0x1100, v1;
	v2 =	vsel vm11, $0x3100, v2  }
0xe: {  	vm14 =	vcmask $0x3734;
	s31 =	simm.s32 $0x0;
	[smem:$0x7FF] =	sst s7;
	s6 =	sor.u32 s4, s6;
	v1 =	vsel vm12, $0x1180, v1;
	v2 =	vsel vm12, $0x3180, v2  }
0xf: {  	v0 =	vmul.u32 $0x80, v0;
	_ =	strace $0x80000047;
	s30 =	sshrl.u32 s5, $0x1;
	s4 =	sshrl.u32 s6, $0x3;
	v1 =	vsel vm13, $0x1200, v1;
	v2 =	vsel vm13, $0x3200, v2  }
0x10: {  	vm15 =	vcmask $0x3B38;
	s7 =	ssub.s32 s5, s30;
	s5 =	sadd.s32 s2, s6;
	s1 =	sadd.s32 s1, s4;
	v3 =	vsel vm14, $0x1280, v1;
	v4 =	vsel vm14, $0x3280, v2  }
0x11: {  	s6 =	smax.u32 s7, $0x1;
	s7 =	simm.s32 $0x2;
	[dreg:$0x4] =	wrdreg s1;
	v1 =	vor.u32 $0x800, v0;
	v2 =	vsel vm15, $0x1300, v3;
	v3 =	vsel vm15, $0x3300, v4  }
.LBB2_1:
0x12: {  	s1 =	simm.s32 $0x0;
	s2 =	rddreg [dreg:$0x4]  }
0x13: {  	[tilespmem:s1], [sflag:$0x2] =	stream.linear.gather [hbm4b:s2+s1], $0x200, $0x38;
	[tilespmem:$0x14200] =	vst v63  }
0x14: {  	_ =	swait.ge [sflag:s7], $0x200  }
0x15: {  	[sflag:s7] =	ssyncset.done $0x0  }
0x16: {  	[sflag:s7] =	ssyncadd.s32 $0xFFFFFE00  }
0x17: {  	v4 =	vld [tilespmem:s1+$0x0];
	_ =	sdelay $0x4  }
0x18: {  	v5 =	vshrl.u32 v4, $0x7  }
0x19: {  	v5 =	vshll.u32 v5, $0x7  }
0x1a: {  	(v2sf) =	vpush v5, $0x0;
	_ =	sdelay $0x1  }
0x1b: {  	(v2sf) =	vpush v5, $0x1  }
0x1c: {  	(v2sf) =	vpush v5, $0x2;
	_ =	sdelay $0x1  }
0x1d: {  	(v2sf) =	vpush v5, $0x3;
	_ =	sdelay $0x1  }
0x1e: {  	(v2sf) =	vpush v5, $0x4;
	_ =	sdelay $0x1  }
0x1f: {  	(v2sf) =	vpush v5, $0x5;
	_ =	sdelay $0x1  }
0x20: {  	(v2sf) =	vpush v5, $0x6;
	_ =	sdelay $0x3  }
0x21: {  	s29 =	spop (v2sf);
	(v2sf) =	vpush v5, $0x7;
	_ =	sdelay $0x1  }
0x22: {  	s1 =	sand.u32 $0x1FFFFF80, s29;
	s30 =	spop (v2sf);
	(v2sf) =	vpush v5, $0x8  }
0x23: {  	s1 =	sadd.s32 s0, s1;
	s2 =	sand.u32 $0x1FFFFF80, s30;
	s3 =	spop (v2sf);
	(v2sf) =	vpush v5, $0x9  }
0x24: {  	[tilespmem:s10], [sflag:$0x1] =	stream.strided.gather [hbm4b:s1+s8], $0x1000, s9, s8, $0x38;
	[tilespmem:$0x14200] =	vst v63  }
0x25: {  	s2 =	sadd.s32 s0, s2;
	s1 =	sand.u32 $0x1FFFFF80, s3;
	s4 =	spop (v2sf);
	(v2sf) =	vpush v5, $0xA  }
0x26: {  	[tilespmem:s11], [sflag:$0x1] =	stream.strided.gather [hbm4b:s2+s8], $0x1000, s9, s8, $0x38;
	[tilespmem:$0x14200] =	vst v63  }
0x27: {  	s1 =	sadd.s32 s0, s1;
	s29 =	spop (v2sf);
	(v2sf) =	vpush v5, $0xB;
	s2 =	sand.u32 $0x1FFFFF80, s4  }
0x28: {  	[tilespmem:s12], [sflag:$0x1] =	stream.strided.gather [hbm4b:s1+s8], $0x1000, s9, s8, $0x38;
	[tilespmem:$0x14200] =	vst v63  }
0x29: {  	s30 =	spop (v2sf);
	(v2sf) =	vpush v5, $0xC;
	s2 =	sadd.s32 s0, s2;
	s1 =	sand.u32 $0x1FFFFF80, s29  }
0x2a: {  	[tilespmem:s13], [sflag:$0x1] =	stream.strided.gather [hbm4b:s2+s8], $0x1000, s9, s8, $0x38;
	[tilespmem:$0x14200] =	vst v63  }
0x2b: {  	s3 =	spop (v2sf);
	(v2sf) =	vpush v5, $0xD;
	s1 =	sadd.s32 s0, s1;
	s2 =	sand.u32 $0x1FFFFF80, s30  }
0x2c: {  	[tilespmem:s14], [sflag:$0x1] =	stream.strided.gather [hbm4b:s1+s8], $0x1000, s9, s8, $0x38;
	[tilespmem:$0x14200] =	vst v63  }
0x2d: {  	s2 =	sadd.s32 s0, s2;
	s1 =	sand.u32 $0x1FFFFF80, s3  }
0x2e: {  	[tilespmem:s15], [sflag:$0x1] =	stream.strided.gather [hbm4b:s2+s8], $0x1000, s9, s8, $0x38;
	[tilespmem:$0x14200] =	vst v63  }
0x2f: {  	s1 =	sadd.s32 s0, s1;
	s4 =	spop (v2sf);
	(v2sf) =	vpush v5, $0xE  }
0x30: {  	[tilespmem:s16], [sflag:$0x1] =	stream.strided.gather [hbm4b:s1+s8], $0x1000, s9, s8, $0x38;
	[tilespmem:$0x14200] =	vst v63  }
0x31: {  	s2 =	sand.u32 $0x1FFFFF80, s4;
	s29 =	spop (v2sf);
	(v2sf) =	vpush v5, $0xF  }
0x32: {  	s2 =	sadd.s32 s0, s2;
	s1 =	sand.u32 $0x1FFFFF80, s29;
	s30 =	spop (v2sf)  }
0x33: {  	[tilespmem:s17], [sflag:$0x1] =	stream.strided.gather [hbm4b:s2+s8], $0x1000, s9, s8, $0x38;
	[tilespmem:$0x14200] =	vst v63  }
0x34: {  	s1 =	sadd.s32 s0, s1;
	s2 =	sand.u32 $0x1FFFFF80, s30;
	s3 =	spop (v2sf)  }
0x35: {  	[tilespmem:s18], [sflag:$0x1] =	stream.strided.gather [hbm4b:s1+s8], $0x1000, s9, s8, $0x38;
	[tilespmem:$0x14200] =	vst v63  }
0x36: {  	s2 =	sadd.s32 s0, s2;
	s4 =	spop (v2sf);
	s1 =	sand.u32 $0x1FFFFF80, s3  }
0x37: {  	[tilespmem:s19], [sflag:$0x1] =	stream.strided.gather [hbm4b:s2+s8], $0x1000, s9, s8, $0x38;
	[tilespmem:$0x14200] =	vst v63  }
0x38: {  	s29 =	spop (v2sf);
	s1 =	sadd.s32 s0, s1;
	s2 =	sand.u32 $0x1FFFFF80, s4  }
0x39: {  	[tilespmem:s20], [sflag:$0x1] =	stream.strided.gather [hbm4b:s1+s8], $0x1000, s9, s8, $0x38;
	[tilespmem:$0x14200] =	vst v63  }
0x3a: {  	s30 =	spop (v2sf);
	s2 =	sadd.s32 s0, s2;
	s1 =	sand.u32 $0x1FFFFF80, s29  }
0x3b: {  	[tilespmem:s21], [sflag:$0x1] =	stream.strided.gather [hbm4b:s2+s8], $0x1000, s9, s8, $0x38;
	[tilespmem:$0x14200] =	vst v63  }
0x3c: {  	s1 =	sadd.s32 s0, s1;
	s2 =	sand.u32 $0x1FFFFF80, s30  }
0x3d: {  	[tilespmem:s22], [sflag:$0x1] =	stream.strided.gather [hbm4b:s1+s8], $0x1000, s9, s8, $0x38;
	[tilespmem:$0x14200] =	vst v63  }
0x3e: {  	s2 =	sadd.s32 s0, s2;
	s3 =	spop (v2sf)  }
0x3f: {  	[tilespmem:s23], [sflag:$0x1] =	stream.strided.gather [hbm4b:s2+s8], $0x1000, s9, s8, $0x38;
	[tilespmem:$0x14200] =	vst v63  }
0x40: {  	s1 =	sand.u32 $0x1FFFFF80, s3;
	s4 =	spop (v2sf)  }
0x41: {  	s1 =	sadd.s32 s0, s1;
	s2 =	sand.u32 $0x1FFFFF80, s4  }
0x42: {  	[tilespmem:s24], [sflag:$0x1] =	stream.strided.gather [hbm4b:s1+s8], $0x1000, s9, s8, $0x38;
	[tilespmem:$0x14200] =	vst v63  }
0x43: {  	s29 =	sadd.s32 s0, s2  }
0x44: {  	[tilespmem:s25], [sflag:$0x1] =	stream.strided.gather [hbm4b:s29+s8], $0x1000, s9, s8, $0x38;
	[tilespmem:$0x14200] =	vst v63  }
0x45: {  	_ =	swait.ge [sflag:s26], $0x1000  }
0x46: {  	[sflag:s26] =	ssyncset.done $0x0  }
0x47: {  	[sflag:s26] =	ssyncadd.s32 $0xFFFFF000  }
0x48: {  	_ =	swait.ge [sflag:s26], $0x1000  }
0x49: {  	[sflag:s26] =	ssyncset.done $0x0  }
0x4a: {  	[sflag:s26] =	ssyncadd.s32 $0xFFFFF000  }
0x4b: {  	_ =	swait.ge [sflag:s26], $0x1000  }
0x4c: {  	[sflag:s26] =	ssyncset.done $0x0  }
0x4d: {  	[sflag:s26] =	ssyncadd.s32 $0xFFFFF000  }
0x4e: {  	_ =	swait.ge [sflag:s26], $0x1000  }
0x4f: {  	[sflag:s26] =	ssyncset.done $0x0  }
0x50: {  	[sflag:s26] =	ssyncadd.s32 $0xFFFFF000  }
0x51: {  	_ =	swait.ge [sflag:s26], $0x1000  }
0x52: {  	[sflag:s26] =	ssyncset.done $0x0  }
0x53: {  	[sflag:s26] =	ssyncadd.s32 $0xFFFFF000  }
0x54: {  	_ =	swait.ge [sflag:s26], $0x1000  }
0x55: {  	[sflag:s26] =	ssyncset.done $0x0  }
0x56: {  	[sflag:s26] =	ssyncadd.s32 $0xFFFFF000  }
0x57: {  	_ =	swait.ge [sflag:s26], $0x1000  }
0x58: {  	[sflag:s26] =	ssyncset.done $0x0  }
0x59: {  	[sflag:s26] =	ssyncadd.s32 $0xFFFFF000  }
0x5a: {  	_ =	swait.ge [sflag:s26], $0x1000  }
0x5b: {  	[sflag:s26] =	ssyncset.done $0x0  }
0x5c: {  	[sflag:s26] =	ssyncadd.s32 $0xFFFFF000  }
0x5d: {  	_ =	swait.ge [sflag:s26], $0x1000  }
0x5e: {  	[sflag:s26] =	ssyncset.done $0x0  }
0x5f: {  	[sflag:s26] =	ssyncadd.s32 $0xFFFFF000  }
0x60: {  	_ =	swait.ge [sflag:s26], $0x1000  }
0x61: {  	[sflag:s26] =	ssyncset.done $0x0  }
0x62: {  	[sflag:s26] =	ssyncadd.s32 $0xFFFFF000  }
0x63: {  	_ =	swait.ge [sflag:s26], $0x1000  }
0x64: {  	[sflag:s26] =	ssyncset.done $0x0  }
0x65: {  	[sflag:s26] =	ssyncadd.s32 $0xFFFFF000  }
0x66: {  	_ =	swait.ge [sflag:s26], $0x1000  }
0x67: {  	[sflag:s26] =	ssyncset.done $0x0  }
0x68: {  	[sflag:s26] =	ssyncadd.s32 $0xFFFFF000  }
0x69: {  	_ =	swait.ge [sflag:s26], $0x1000  }
0x6a: {  	[sflag:s26] =	ssyncset.done $0x0  }
0x6b: {  	[sflag:s26] =	ssyncadd.s32 $0xFFFFF000  }
0x6c: {  	_ =	swait.ge [sflag:s26], $0x1000  }
0x6d: {  	v4 =	vand.u32 $0x7F, v4;
	[sflag:s26] =	ssyncset.done $0x0  }
0x6e: {  	v5 =	vbroadcast v4, $0x0;
	[sflag:s26] =	ssyncadd.s32 $0xFFFFF000  }
0x6f: {  	_ =	swait.ge [sflag:s26], $0x1000  }
0x70: {  	v6 =	vor.u32 v0, v5;
	s30 =	simm.s32 $0x0;
	[sflag:s26] =	ssyncset.done $0x0  }
0x71: {  	v5 =	vor.u32 v1, v5;
	v7 =	vmov s30;
	[sflag:s26] =	ssyncadd.s32 $0xFFFFF000  }
0x72: {  	v8 =	vshll.u32 v7, $0x3;
	_ =	swait.ge [sflag:s26], $0x1000  }
0x73: {  	v7 =	vand.u32 $0x70, v7;
	v8 =	vand.u32 $0xC00, v8;
	[sflag:s26] =	ssyncset.done $0x0  }
0x74: {  	v7 =	vor.u32 v7, v8;
	[sflag:s26] =	ssyncadd.s32 $0xFFFFF000  }
0x75: {  	v31 =	vbroadcast v4, $0x1;
	v9 =	vor.u32 v2, v7;
	v6 =	vld.idx.msk [tilespmem:v6+s10+$0x0], $0xffff  }
0x76: {  	v7 =	vor.u32 v3, v7;
	v5 =	vld.idx.msk [tilespmem:v5+s10+$0x0], $0xffff  }
0x77: {  	v10 =	vor.u32 v0, v31;
	s2 =	simm.s32 $0x1  }
0x78: {  	v8 =	vor.u32 v1, v31;
	v11 =	vmov s2  }
0x79: {  	v12 =	vshll.u32 v11, $0x3  }
0x7a: {  	v32 =	vand.u32 $0xC00, v12;
	[tilespmem:v9+s28+$0x0] =	vst.idx.msk $0xffff, v6;
	v6 =	vand.u32 $0x71, v11  }
0x7b: {  	[tilespmem:v7+s28+$0x0] =	vst.idx.msk $0xffff, v5;
	v5 =	vor.u32 v6, v32  }
0x7c: {  	v6 =	vbroadcast v4, $0x2;
	v7 =	vld.idx.msk [tilespmem:v10+s11+$0x0], $0xffff;
	v9 =	vor.u32 v2, v5  }
0x7d: {  	v8 =	vld.idx.msk [tilespmem:v8+s11+$0x0], $0xffff;
	v5 =	vor.u32 v3, v5  }
0x7e: {  	s3 =	simm.s32 $0x2;
	v33 =	vor.u32 v0, v6  }
0x7f: {  	v34 =	vmov s3;
	v6 =	vor.u32 v1, v6  }
0x80: {  	v35 =	vshll.u32 v34, $0x3  }
0x81: {  	v36 =	vand.u32 $0xC00, v35;
	[tilespmem:v9+s28+$0x0] =	vst.idx.msk $0xffff, v7;
	v7 =	vand.u32 $0x72, v34  }
0x82: {  	[tilespmem:v5+s28+$0x0] =	vst.idx.msk $0xffff, v8;
	v5 =	vor.u32 v7, v36  }
0x83: {  	v7 =	vbroadcast v4, $0x3;
	v8 =	vld.idx.msk [tilespmem:v33+s12+$0x0], $0xffff;
	v9 =	vor.u32 v2, v5  }
0x84: {  	v6 =	vld.idx.msk [tilespmem:v6+s12+$0x0], $0xffff;
	v5 =	vor.u32 v3, v5  }
0x85: {  	s4 =	simm.s32 $0x3;
	v37 =	vor.u32 v0, v7  }
0x86: {  	v38 =	vmov s4;
	v7 =	vor.u32 v1, v7  }
0x87: {  	v39 =	vshll.u32 v38, $0x3  }
0x88: {  	v40 =	vand.u32 $0x73, v38;
	v41 =	vand.u32 $0xC00, v39;
	[tilespmem:v9+s28+$0x0] =	vst.idx.msk $0xffff, v8  }
0x89: {  	[tilespmem:v5+s28+$0x0] =	vst.idx.msk $0xffff, v6;
	v5 =	vor.u32 v40, v41  }
0x8a: {  	v6 =	vbroadcast v4, $0x4;
	v42 =	vld.idx.msk [tilespmem:v37+s13+$0x0], $0xffff;
	v9 =	vor.u32 v2, v5  }
0x8b: {  	v7 =	vld.idx.msk [tilespmem:v7+s13+$0x0], $0xffff;
	v5 =	vor.u32 v3, v5  }
0x8c: {  	s29 =	simm.s32 $0x4;
	v43 =	vor.u32 v0, v6  }
0x8d: {  	v44 =	vmov s29;
	v6 =	vor.u32 v1, v6  }
0x8e: {  	v45 =	vshll.u32 v44, $0x3  }
0x8f: {  	v46 =	vand.u32 $0x74, v44;
	v47 =	vand.u32 $0xC00, v45;
	[tilespmem:v9+s28+$0x0] =	vst.idx.msk $0xffff, v42  }
0x90: {  	[tilespmem:v5+s28+$0x0] =	vst.idx.msk $0xffff, v7;
	v5 =	vor.u32 v46, v47  }
0x91: {  	v7 =	vbroadcast v4, $0x5;
	v48 =	vld.idx.msk [tilespmem:v43+s14+$0x0], $0xffff;
	v9 =	vor.u32 v2, v5  }
0x92: {  	v6 =	vld.idx.msk [tilespmem:v6+s14+$0x0], $0xffff;
	v5 =	vor.u32 v3, v5  }
0x93: {  	s30 =	simm.s32 $0x5;
	v49 =	vor.u32 v0, v7  }
0x94: {  	v50 =	vmov s30;
	v7 =	vor.u32 v1, v7  }
0x95: {  	v51 =	vshll.u32 v50, $0x3  }
0x96: {  	v52 =	vand.u32 $0x75, v50;
	v53 =	vand.u32 $0xC00, v51;
	[tilespmem:v9+s28+$0x0] =	vst.idx.msk $0xffff, v48  }
0x97: {  	[tilespmem:v5+s28+$0x0] =	vst.idx.msk $0xffff, v6;
	v5 =	vor.u32 v52, v53  }
0x98: {  	v6 =	vbroadcast v4, $0x6;
	v54 =	vld.idx.msk [tilespmem:v49+s15+$0x0], $0xffff;
	v9 =	vor.u32 v2, v5  }
0x99: {  	v7 =	vld.idx.msk [tilespmem:v7+s15+$0x0], $0xffff;
	v5 =	vor.u32 v3, v5  }
0x9a: {  	s2 =	simm.s32 $0x6;
	v55 =	vor.u32 v0, v6  }
0x9b: {  	v56 =	vmov s2;
	v6 =	vor.u32 v1, v6  }
0x9c: {  	v57 =	vshll.u32 v56, $0x3  }
0x9d: {  	v58 =	vand.u32 $0x76, v56;
	v59 =	vand.u32 $0xC00, v57;
	[tilespmem:v9+s28+$0x0] =	vst.idx.msk $0xffff, v54  }
0x9e: {  	[tilespmem:v5+s28+$0x0] =	vst.idx.msk $0xffff, v7;
	v5 =	vor.u32 v58, v59  }
0x9f: {  	v7 =	vbroadcast v4, $0x7;
	v60 =	vld.idx.msk [tilespmem:v55+s16+$0x0], $0xffff;
	v9 =	vor.u32 v2, v5  }
0xa0: {  	v6 =	vld.idx.msk [tilespmem:v6+s16+$0x0], $0xffff;
	v5 =	vor.u32 v3, v5  }
0xa1: {  	s3 =	simm.s32 $0x7;
	v61 =	vor.u32 v0, v7  }
0xa2: {  	v62 =	vmov s3;
	v7 =	vor.u32 v1, v7  }
0xa3: {  	v63 =	vshll.u32 v62, $0x3  }
0xa4: {  	v16 =	vand.u32 $0x77, v62;
	v17 =	vand.u32 $0xC00, v63;
	[tilespmem:v9+s28+$0x0] =	vst.idx.msk $0xffff, v60  }
0xa5: {  	[tilespmem:v5+s28+$0x0] =	vst.idx.msk $0xffff, v6;
	v5 =	vor.u32 v16, v17  }
0xa6: {  	v6 =	vbroadcast v4, $0x8;
	v18 =	vld.idx.msk [tilespmem:v61+s17+$0x0], $0xffff;
	v9 =	vor.u32 v2, v5  }
0xa7: {  	v7 =	vld.idx.msk [tilespmem:v7+s17+$0x0], $0xffff;
	v5 =	vor.u32 v3, v5  }
0xa8: {  	s4 =	simm.s32 $0x8;
	v19 =	vor.u32 v0, v6  }
0xa9: {  	v20 =	vmov s4;
	v6 =	vor.u32 v1, v6  }
0xaa: {  	v21 =	vshll.u32 v20, $0x3  }
0xab: {  	v22 =	vand.u32 $0x78, v20;
	v23 =	vand.u32 $0xC00, v21;
	[tilespmem:v9+s28+$0x0] =	vst.idx.msk $0xffff, v18  }
0xac: {  	[tilespmem:v5+s28+$0x0] =	vst.idx.msk $0xffff, v7;
	v5 =	vor.u32 v22, v23  }
0xad: {  	v7 =	vbroadcast v4, $0x9;
	v24 =	vld.idx.msk [tilespmem:v19+s18+$0x0], $0xffff;
	v9 =	vor.u32 v2, v5  }
0xae: {  	v6 =	vld.idx.msk [tilespmem:v6+s18+$0x0], $0xffff;
	v5 =	vor.u32 v3, v5  }
0xaf: {  	s29 =	simm.s32 $0x9;
	v25 =	vor.u32 v0, v7  }
0xb0: {  	v26 =	vmov s29;
	v7 =	vor.u32 v1, v7  }
0xb1: {  	v27 =	vshll.u32 v26, $0x3  }
0xb2: {  	v28 =	vand.u32 $0x79, v26;
	v29 =	vand.u32 $0xC00, v27;
	[tilespmem:v9+s28+$0x0] =	vst.idx.msk $0xffff, v24  }
0xb3: {  	[tilespmem:v5+s28+$0x0] =	vst.idx.msk $0xffff, v6;
	v5 =	vor.u32 v28, v29  }
0xb4: {  	v6 =	vbroadcast v4, $0xA;
	v30 =	vld.idx.msk [tilespmem:v25+s19+$0x0], $0xffff;
	v9 =	vor.u32 v2, v5  }
0xb5: {  	v7 =	vld.idx.msk [tilespmem:v7+s19+$0x0], $0xffff;
	v5 =	vor.u32 v3, v5  }
0xb6: {  	s30 =	simm.s32 $0xA;
	v31 =	vor.u32 v0, v6  }
0xb7: {  	v32 =	vmov s30;
	v6 =	vor.u32 v1, v6  }
0xb8: {  	v33 =	vshll.u32 v32, $0x3  }
0xb9: {  	v34 =	vand.u32 $0x7A, v32;
	v35 =	vand.u32 $0xC00, v33;
	[tilespmem:v9+s28+$0x0] =	vst.idx.msk $0xffff, v30  }
0xba: {  	[tilespmem:v5+s28+$0x0] =	vst.idx.msk $0xffff, v7;
	v5 =	vor.u32 v34, v35  }
0xbb: {  	v7 =	vbroadcast v4, $0xB;
	v36 =	vld.idx.msk [tilespmem:v31+s20+$0x0], $0xffff;
	v9 =	vor.u32 v2, v5  }
0xbc: {  	v6 =	vld.idx.msk [tilespmem:v6+s20+$0x0], $0xffff;
	v5 =	vor.u32 v3, v5  }
0xbd: {  	s2 =	simm.s32 $0xB;
	v37 =	vor.u32 v0, v7  }
0xbe: {  	v38 =	vmov s2;
	v7 =	vor.u32 v1, v7  }
0xbf: {  	v39 =	vshll.u32 v38, $0x3  }
0xc0: {  	v40 =	vand.u32 $0x7B, v38;
	v41 =	vand.u32 $0xC00, v39;
	[tilespmem:v9+s28+$0x0] =	vst.idx.msk $0xffff, v36  }
0xc1: {  	[tilespmem:v5+s28+$0x0] =	vst.idx.msk $0xffff, v6;
	v5 =	vor.u32 v40, v41  }
0xc2: {  	v6 =	vbroadcast v4, $0xC;
	v42 =	vld.idx.msk [tilespmem:v37+s21+$0x0], $0xffff;
	v9 =	vor.u32 v2, v5  }
0xc3: {  	v7 =	vld.idx.msk [tilespmem:v7+s21+$0x0], $0xffff;
	v5 =	vor.u32 v3, v5  }
0xc4: {  	s3 =	simm.s32 $0xC;
	v43 =	vor.u32 v0, v6  }
0xc5: {  	v44 =	vmov s3;
	v6 =	vor.u32 v1, v6  }
0xc6: {  	v45 =	vshll.u32 v44, $0x3  }
0xc7: {  	v46 =	vand.u32 $0x7C, v44;
	v47 =	vand.u32 $0xC00, v45;
	[tilespmem:v9+s28+$0x0] =	vst.idx.msk $0xffff, v42  }
0xc8: {  	[tilespmem:v5+s28+$0x0] =	vst.idx.msk $0xffff, v7;
	v5 =	vor.u32 v46, v47  }
0xc9: {  	v7 =	vbroadcast v4, $0xD;
	v48 =	vld.idx.msk [tilespmem:v43+s22+$0x0], $0xffff;
	v9 =	vor.u32 v2, v5  }
0xca: {  	v6 =	vld.idx.msk [tilespmem:v6+s22+$0x0], $0xffff;
	v5 =	vor.u32 v3, v5  }
0xcb: {  	s4 =	simm.s32 $0xD;
	v49 =	vor.u32 v0, v7  }
0xcc: {  	v50 =	vmov s4;
	v7 =	vor.u32 v1, v7  }
0xcd: {  	v51 =	vshll.u32 v50, $0x3  }
0xce: {  	v52 =	vand.u32 $0x7D, v50;
	v53 =	vand.u32 $0xC00, v51;
	[tilespmem:v9+s28+$0x0] =	vst.idx.msk $0xffff, v48  }
0xcf: {  	[tilespmem:v5+s28+$0x0] =	vst.idx.msk $0xffff, v6;
	v5 =	vor.u32 v52, v53  }
0xd0: {  	v6 =	vbroadcast v4, $0xE;
	v54 =	vld.idx.msk [tilespmem:v49+s23+$0x0], $0xffff;
	v9 =	vor.u32 v2, v5  }
0xd1: {  	v7 =	vld.idx.msk [tilespmem:v7+s23+$0x0], $0xffff;
	v5 =	vor.u32 v3, v5  }
0xd2: {  	s29 =	simm.s32 $0xE;
	v55 =	vor.u32 v0, v6  }
0xd3: {  	v56 =	vmov s29;
	v6 =	vor.u32 v1, v6  }
0xd4: {  	v57 =	vshll.u32 v56, $0x3  }
0xd5: {  	v58 =	vand.u32 $0x7E, v56;
	v59 =	vand.u32 $0xC00, v57;
	[tilespmem:v9+s28+$0x0] =	vst.idx.msk $0xffff, v54  }
0xd6: {  	[tilespmem:v5+s28+$0x0] =	vst.idx.msk $0xffff, v7;
	v5 =	vor.u32 v58, v59  }
0xd7: {  	v4 =	vbroadcast v4, $0xF;
	v7 =	vld.idx.msk [tilespmem:v55+s24+$0x0], $0xffff;
	v8 =	vor.u32 v2, v5  }
0xd8: {  	v6 =	vld.idx.msk [tilespmem:v6+s24+$0x0], $0xffff;
	v5 =	vor.u32 v3, v5  }
0xd9: {  	s30 =	simm.s32 $0xF;
	v60 =	vor.u32 v0, v4  }
0xda: {  	v61 =	vmov s30  }
0xdb: {  	v62 =	vshll.u32 v61, $0x3;
	v4 =	vor.u32 v1, v4  }
0xdc: {  	v63 =	vand.u32 $0xC00, v62;
	[tilespmem:v8+s28+$0x0] =	vst.idx.msk $0xffff, v7;
	v7 =	vand.u32 $0x7F, v61  }
0xdd: {  	[tilespmem:v5+s28+$0x0] =	vst.idx.msk $0xffff, v6;
	v5 =	vor.u32 v7, v63  }
0xde: {  	v6 =	vld.idx.msk [tilespmem:v60+s25+$0x0], $0xffff;
	v7 =	vor.u32 v2, v5;
	_ =	sdelay $0x1  }
0xdf: {  	v4 =	vld.idx.msk [tilespmem:v4+s25+$0x0], $0xffff;
	v5 =	vor.u32 v3, v5;
	_ =	sdelay $0x2  }
0xe0: {  	s1 =	simm.s32 $0x1F;
	s2 =	simm.s32 $0x0;
	[tilespmem:v7+s28+$0x0] =	vst.idx.msk $0xffff, v6  }
.LBB2_2:
0xe1: {  	p0 =	sne.s32 s1, $0x1FF  }
0xe2: {  	[tilespmem:v5+s28+$0x0] =	vst.idx.msk $0xffff, v4;
	s2 =	sadd.s32 $0x10, s2;
	s29 =	smov.u32 s1;
	s1 =	sadd.s32 $0x10, s1  }
0xe3: {  	v4 =	vld [tilespmem:s2+$0x0];
	_ =	sdelay $0x4  }
0xe4: {  	v5 =	vshrl.u32 v4, $0x7;
	v4 =	vand.u32 $0x7F, v4  }
0xe5: {  	v20 =	vshll.u32 v5, $0x7;
	v19 =	vbroadcast v4, $0x0;
	v18 =	vbroadcast v4, $0x1  }
0xe6: {  	v17 =	vbroadcast v4, $0x2;
	v16 =	vbroadcast v4, $0x3;
	(v2sf) =	vpush v20, $0x0  }
0xe7: {  	v15 =	vbroadcast v4, $0x4;
	v14 =	vbroadcast v4, $0x5;
	(v2sf) =	vpush v20, $0x1  }
0xe8: {  	v13 =	vbroadcast v4, $0x6;
	v12 =	vbroadcast v4, $0x7;
	(v2sf) =	vpush v20, $0x2  }
0xe9: {  	v11 =	vbroadcast v4, $0x8;
	v10 =	vbroadcast v4, $0x9  }
0xea: {  	v9 =	vbroadcast v4, $0xA;
	v8 =	vbroadcast v4, $0xB;
	(v2sf) =	vpush v20, $0x3  }
0xeb: {  	v7 =	vbroadcast v4, $0xC;
	v6 =	vbroadcast v4, $0xD  }
0xec: {  	v5 =	vbroadcast v4, $0xE;
	v4 =	vbroadcast v4, $0xF;
	(v2sf) =	vpush v20, $0x4;
	_ =	sdelay $0x1  }
0xed: {  	(v2sf) =	vpush v20, $0x5;
	_ =	sdelay $0x1  }
0xee: {  	(v2sf) =	vpush v20, $0x6;
	_ =	sdelay $0x1  }
0xef: {  	(v2sf) =	vpush v20, $0x7;
	_ =	sdelay $0x1  }
0xf0: {  	(v2sf) =	vpush v20, $0x8  }
0xf1: {  	s30 =	spop (v2sf)  }
0xf2: {  	s30 =	sand.u32 $0x1FFFFF80, s30;
	s3 =	spop (v2sf);
	(v2sf) =	vpush v20, $0x9  }
0xf3: {  	s30 =	sadd.s32 s0, s30;
	s3 =	sand.u32 $0x1FFFFF80, s3;
	s4 =	spop (v2sf)  }
0xf4: {  	[tilespmem:s10], [sflag:$0x1] =	stream.strided.gather [hbm4b:s30+s8], $0x1000, s9, s8, $0x38;
	(v2sf) =	vpush v20, $0xA;
	[tilespmem:$0x14200] =	vst v63  }
0xf5: {  	s3 =	sadd.s32 s0, s3;
	s4 =	sand.u32 $0x1FFFFF80, s4;
	s30 =	spop (v2sf)  }
0xf6: {  	[tilespmem:s11], [sflag:$0x1] =	stream.strided.gather [hbm4b:s3+s8], $0x1000, s9, s8, $0x38;
	(v2sf) =	vpush v20, $0xB;
	[tilespmem:$0x14200] =	vst v63  }
0xf7: {  	s3 =	sadd.s32 s0, s4;
	s4 =	sand.u32 $0x1FFFFF80, s30;
	s30 =	spop (v2sf)  }
0xf8: {  	[tilespmem:s12], [sflag:$0x1] =	stream.strided.gather [hbm4b:s3+s8], $0x1000, s9, s8, $0x38;
	(v2sf) =	vpush v20, $0xC;
	[tilespmem:$0x14200] =	vst v63  }
0xf9: {  	s3 =	sadd.s32 s0, s4;
	s4 =	sand.u32 $0x1FFFFF80, s30;
	s30 =	spop (v2sf)  }
0xfa: {  	[tilespmem:s13], [sflag:$0x1] =	stream.strided.gather [hbm4b:s3+s8], $0x1000, s9, s8, $0x38;
	(v2sf) =	vpush v20, $0xD;
	[tilespmem:$0x14200] =	vst v63  }
0xfb: {  	s3 =	sadd.s32 s0, s4;
	s4 =	sand.u32 $0x1FFFFF80, s30;
	s30 =	spop (v2sf)  }
0xfc: {  	[tilespmem:s14], [sflag:$0x1] =	stream.strided.gather [hbm4b:s3+s8], $0x1000, s9, s8, $0x38;
	(v2sf) =	vpush v20, $0xE;
	[tilespmem:$0x14200] =	vst v63  }
0xfd: {  	s3 =	sadd.s32 s0, s4;
	s4 =	sand.u32 $0x1FFFFF80, s30;
	s30 =	spop (v2sf)  }
0xfe: {  	[tilespmem:s15], [sflag:$0x1] =	stream.strided.gather [hbm4b:s3+s8], $0x1000, s9, s8, $0x38;
	(v2sf) =	vpush v20, $0xF;
	[tilespmem:$0x14200] =	vst v63  }
0xff: {  	s3 =	sadd.s32 s0, s4;
	s4 =	sand.u32 $0x1FFFFF80, s30;
	s30 =	spop (v2sf)  }
0x100: {  	[tilespmem:s16], [sflag:$0x1] =	stream.strided.gather [hbm4b:s3+s8], $0x1000, s9, s8, $0x38;
	[tilespmem:$0x14200] =	vst v63  }
0x101: {  	s3 =	sadd.s32 s0, s4;
	s4 =	sand.u32 $0x1FFFFF80, s30;
	s30 =	spop (v2sf)  }
0x102: {  	[tilespmem:s17], [sflag:$0x1] =	stream.strided.gather [hbm4b:s3+s8], $0x1000, s9, s8, $0x38;
	[tilespmem:$0x14200] =	vst v63  }
0x103: {  	s3 =	sadd.s32 s0, s4;
	s4 =	sand.u32 $0x1FFFFF80, s30;
	s30 =	spop (v2sf)  }
0x104: {  	[tilespmem:s18], [sflag:$0x1] =	stream.strided.gather [hbm4b:s3+s8], $0x1000, s9, s8, $0x38;
	[tilespmem:$0x14200] =	vst v63  }
0x105: {  	s3 =	sadd.s32 s0, s4;
	s4 =	sand.u32 $0x1FFFFF80, s30;
	s30 =	spop (v2sf)  }
0x106: {  	[tilespmem:s19], [sflag:$0x1] =	stream.strided.gather [hbm4b:s3+s8], $0x1000, s9, s8, $0x38;
	[tilespmem:$0x14200] =	vst v63  }
0x107: {  	s3 =	sadd.s32 s0, s4;
	s4 =	sand.u32 $0x1FFFFF80, s30;
	s30 =	spop (v2sf)  }
0x108: {  	[tilespmem:s20], [sflag:$0x1] =	stream.strided.gather [hbm4b:s3+s8], $0x1000, s9, s8, $0x38;
	[tilespmem:$0x14200] =	vst v63  }
0x109: {  	s3 =	sadd.s32 s0, s4;
	s4 =	sand.u32 $0x1FFFFF80, s30;
	s30 =	spop (v2sf)  }
0x10a: {  	[tilespmem:s21], [sflag:$0x1] =	stream.strided.gather [hbm4b:s3+s8], $0x1000, s9, s8, $0x38;
	[tilespmem:$0x14200] =	vst v63  }
0x10b: {  	s3 =	sadd.s32 s0, s4;
	s4 =	sand.u32 $0x1FFFFF80, s30;
	s30 =	spop (v2sf)  }
0x10c: {  	[tilespmem:s22], [sflag:$0x1] =	stream.strided.gather [hbm4b:s3+s8], $0x1000, s9, s8, $0x38;
	[tilespmem:$0x14200] =	vst v63  }
0x10d: {  	s3 =	sadd.s32 s0, s4;
	s4 =	sand.u32 $0x1FFFFF80, s30;
	s30 =	spop (v2sf)  }
0x10e: {  	[tilespmem:s23], [sflag:$0x1] =	stream.strided.gather [hbm4b:s3+s8], $0x1000, s9, s8, $0x38;
	[tilespmem:$0x14200] =	vst v63  }
0x10f: {  	s3 =	sadd.s32 s0, s4;
	s4 =	sand.u32 $0x1FFFFF80, s30  }
0x110: {  	[tilespmem:s24], [sflag:$0x1] =	stream.strided.gather [hbm4b:s3+s8], $0x1000, s9, s8, $0x38;
	[tilespmem:$0x14200] =	vst v63  }
0x111: {  	s3 =	sadd.s32 s0, s4  }
0x112: {  	[tilespmem:s25], [sflag:$0x1] =	stream.strided.gather [hbm4b:s3+s8], $0x1000, s9, s8, $0x38;
	[tilespmem:$0x14200] =	vst v63  }
0x113: {  	_ =	swait.ge [sflag:s26], $0x1000  }
0x114: {  	[sflag:s26] =	ssyncset.done $0x0  }
0x115: {  	[sflag:s26] =	ssyncadd.s32 $0xFFFFF000  }
0x116: {  	_ =	swait.ge [sflag:s26], $0x1000  }
0x117: {  	[sflag:s26] =	ssyncset.done $0x0  }
0x118: {  	[sflag:s26] =	ssyncadd.s32 $0xFFFFF000  }
0x119: {  	_ =	swait.ge [sflag:s26], $0x1000  }
0x11a: {  	[sflag:s26] =	ssyncset.done $0x0  }
0x11b: {  	[sflag:s26] =	ssyncadd.s32 $0xFFFFF000  }
0x11c: {  	_ =	swait.ge [sflag:s26], $0x1000  }
0x11d: {  	[sflag:s26] =	ssyncset.done $0x0  }
0x11e: {  	[sflag:s26] =	ssyncadd.s32 $0xFFFFF000  }
0x11f: {  	_ =	swait.ge [sflag:s26], $0x1000  }
0x120: {  	[sflag:s26] =	ssyncset.done $0x0  }
0x121: {  	[sflag:s26] =	ssyncadd.s32 $0xFFFFF000  }
0x122: {  	_ =	swait.ge [sflag:s26], $0x1000  }
0x123: {  	[sflag:s26] =	ssyncset.done $0x0  }
0x124: {  	[sflag:s26] =	ssyncadd.s32 $0xFFFFF000  }
0x125: {  	_ =	swait.ge [sflag:s26], $0x1000  }
0x126: {  	[sflag:s26] =	ssyncset.done $0x0  }
0x127: {  	[sflag:s26] =	ssyncadd.s32 $0xFFFFF000  }
0x128: {  	_ =	swait.ge [sflag:s26], $0x1000  }
0x129: {  	[sflag:s26] =	ssyncset.done $0x0  }
0x12a: {  	[sflag:s26] =	ssyncadd.s32 $0xFFFFF000  }
0x12b: {  	_ =	swait.ge [sflag:s26], $0x1000  }
0x12c: {  	[sflag:s26] =	ssyncset.done $0x0  }
0x12d: {  	[sflag:s26] =	ssyncadd.s32 $0xFFFFF000  }
0x12e: {  	_ =	swait.ge [sflag:s26], $0x1000  }
0x12f: {  	[sflag:s26] =	ssyncset.done $0x0  }
0x130: {  	[sflag:s26] =	ssyncadd.s32 $0xFFFFF000  }
0x131: {  	_ =	swait.ge [sflag:s26], $0x1000  }
0x132: {  	[sflag:s26] =	ssyncset.done $0x0  }
0x133: {  	[sflag:s26] =	ssyncadd.s32 $0xFFFFF000  }
0x134: {  	_ =	swait.ge [sflag:s26], $0x1000  }
0x135: {  	[sflag:s26] =	ssyncset.done $0x0  }
0x136: {  	[sflag:s26] =	ssyncadd.s32 $0xFFFFF000  }
0x137: {  	_ =	swait.ge [sflag:s26], $0x1000  }
0x138: {  	[sflag:s26] =	ssyncset.done $0x0  }
0x139: {  	[sflag:s26] =	ssyncadd.s32 $0xFFFFF000  }
0x13a: {  	_ =	swait.ge [sflag:s26], $0x1000  }
0x13b: {  	[sflag:s26] =	ssyncset.done $0x0  }
0x13c: {  	[sflag:s26] =	ssyncadd.s32 $0xFFFFF000  }
0x13d: {  	_ =	swait.ge [sflag:s26], $0x1000  }
0x13e: {  	v20 =	vor.u32 v0, v19;
	[sflag:s26] =	ssyncset.done $0x0  }
0x13f: {  	v19 =	vor.u32 v1, v19;
	s3 =	sadd.s32 $0xFFFFFFF1, s29;
	[sflag:s26] =	ssyncadd.s32 $0xFFFFF000  }
0x140: {  	v21 =	vmov s3;
	_ =	swait.ge [sflag:s26], $0x1000  }
0x141: {  	v22 =	vshll.u32 v21, $0x3;
	[sflag:s26] =	ssyncset.done $0x0  }
0x142: {  	v21 =	vand.u32 $0x70, v21;
	v22 =	vand.u32 $0xC00, v22;
	[sflag:s26] =	ssyncadd.s32 $0xFFFFF000  }
0x143: {  	v21 =	vor.u32 v21, v22;
	v20 =	vld.idx.msk [tilespmem:v20+s10+$0x0], $0xffff  }
0x144: {  	v22 =	vor.u32 v2, v21;
	v19 =	vld.idx.msk [tilespmem:v19+s10+$0x0], $0xffff  }
0x145: {  	v21 =	vor.u32 v3, v21  }
0x146: {  	v23 =	vor.u32 v0, v18  }
0x147: {  	v18 =	vor.u32 v1, v18;
	s3 =	sadd.s32 $0xFFFFFFF2, s29  }
0x148: {  	v24 =	vmov s3  }
0x149: {  	[tilespmem:v22+s28+$0x0] =	vst.idx.msk $0xffff, v20;
	v20 =	vshll.u32 v24, $0x3  }
0x14a: {  	[tilespmem:v21+s28+$0x0] =	vst.idx.msk $0xffff, v19;
	v19 =	vand.u32 $0x71, v24;
	v20 =	vand.u32 $0xC00, v20  }
0x14b: {  	v21 =	vld.idx.msk [tilespmem:v23+s11+$0x0], $0xffff;
	v19 =	vor.u32 v19, v20  }
0x14c: {  	v18 =	vld.idx.msk [tilespmem:v18+s11+$0x0], $0xffff;
	v20 =	vor.u32 v2, v19  }
0x14d: {  	v19 =	vor.u32 v3, v19  }
0x14e: {  	v22 =	vor.u32 v0, v17  }
0x14f: {  	s3 =	sadd.s32 $0xFFFFFFF3, s29;
	v17 =	vor.u32 v1, v17  }
0x150: {  	v23 =	vmov s3  }
0x151: {  	[tilespmem:v20+s28+$0x0] =	vst.idx.msk $0xffff, v21;
	v20 =	vshll.u32 v23, $0x3  }
0x152: {  	[tilespmem:v19+s28+$0x0] =	vst.idx.msk $0xffff, v18;
	v18 =	vand.u32 $0x72, v23;
	v19 =	vand.u32 $0xC00, v20  }
0x153: {  	v20 =	vld.idx.msk [tilespmem:v22+s12+$0x0], $0xffff;
	v18 =	vor.u32 v18, v19  }
0x154: {  	v17 =	vld.idx.msk [tilespmem:v17+s12+$0x0], $0xffff;
	v19 =	vor.u32 v2, v18  }
0x155: {  	v18 =	vor.u32 v3, v18  }
0x156: {  	v21 =	vor.u32 v0, v16  }
0x157: {  	s3 =	sadd.s32 $0xFFFFFFF4, s29;
	v16 =	vor.u32 v1, v16  }
0x158: {  	v22 =	vmov s3  }
0x159: {  	[tilespmem:v19+s28+$0x0] =	vst.idx.msk $0xffff, v20;
	v19 =	vshll.u32 v22, $0x3  }
0x15a: {  	[tilespmem:v18+s28+$0x0] =	vst.idx.msk $0xffff, v17;
	v17 =	vand.u32 $0x73, v22;
	v18 =	vand.u32 $0xC00, v19  }
0x15b: {  	v19 =	vld.idx.msk [tilespmem:v21+s13+$0x0], $0xffff;
	v17 =	vor.u32 v17, v18  }
0x15c: {  	v16 =	vld.idx.msk [tilespmem:v16+s13+$0x0], $0xffff;
	v18 =	vor.u32 v2, v17  }
0x15d: {  	v17 =	vor.u32 v3, v17  }
0x15e: {  	v20 =	vor.u32 v0, v15  }
0x15f: {  	s3 =	sadd.s32 $0xFFFFFFF5, s29;
	v15 =	vor.u32 v1, v15  }
0x160: {  	v21 =	vmov s3  }
0x161: {  	[tilespmem:v18+s28+$0x0] =	vst.idx.msk $0xffff, v19;
	v18 =	vshll.u32 v21, $0x3  }
0x162: {  	[tilespmem:v17+s28+$0x0] =	vst.idx.msk $0xffff, v16;
	v16 =	vand.u32 $0x74, v21;
	v17 =	vand.u32 $0xC00, v18  }
0x163: {  	v18 =	vld.idx.msk [tilespmem:v20+s14+$0x0], $0xffff;
	v16 =	vor.u32 v16, v17  }
0x164: {  	v15 =	vld.idx.msk [tilespmem:v15+s14+$0x0], $0xffff;
	v17 =	vor.u32 v2, v16  }
0x165: {  	v16 =	vor.u32 v3, v16  }
0x166: {  	v19 =	vor.u32 v0, v14  }
0x167: {  	s3 =	sadd.s32 $0xFFFFFFF6, s29;
	v14 =	vor.u32 v1, v14  }
0x168: {  	v20 =	vmov s3  }
0x169: {  	[tilespmem:v17+s28+$0x0] =	vst.idx.msk $0xffff, v18;
	v17 =	vshll.u32 v20, $0x3  }
0x16a: {  	[tilespmem:v16+s28+$0x0] =	vst.idx.msk $0xffff, v15;
	v15 =	vand.u32 $0x75, v20;
	v16 =	vand.u32 $0xC00, v17  }
0x16b: {  	v17 =	vld.idx.msk [tilespmem:v19+s15+$0x0], $0xffff;
	v15 =	vor.u32 v15, v16  }
0x16c: {  	v14 =	vld.idx.msk [tilespmem:v14+s15+$0x0], $0xffff;
	v16 =	vor.u32 v2, v15  }
0x16d: {  	v15 =	vor.u32 v3, v15  }
0x16e: {  	v18 =	vor.u32 v0, v13  }
0x16f: {  	s3 =	sadd.s32 $0xFFFFFFF7, s29;
	v13 =	vor.u32 v1, v13  }
0x170: {  	v19 =	vmov s3  }
0x171: {  	[tilespmem:v16+s28+$0x0] =	vst.idx.msk $0xffff, v17;
	v16 =	vshll.u32 v19, $0x3  }
0x172: {  	[tilespmem:v15+s28+$0x0] =	vst.idx.msk $0xffff, v14;
	v14 =	vand.u32 $0x76, v19;
	v15 =	vand.u32 $0xC00, v16  }
0x173: {  	v16 =	vld.idx.msk [tilespmem:v18+s16+$0x0], $0xffff;
	v14 =	vor.u32 v14, v15  }
0x174: {  	v13 =	vld.idx.msk [tilespmem:v13+s16+$0x0], $0xffff;
	v15 =	vor.u32 v2, v14  }
0x175: {  	v14 =	vor.u32 v3, v14  }
0x176: {  	v17 =	vor.u32 v0, v12  }
0x177: {  	s3 =	sadd.s32 $0xFFFFFFF8, s29;
	v12 =	vor.u32 v1, v12  }
0x178: {  	v18 =	vmov s3  }
0x179: {  	[tilespmem:v15+s28+$0x0] =	vst.idx.msk $0xffff, v16;
	v15 =	vshll.u32 v18, $0x3  }
0x17a: {  	[tilespmem:v14+s28+$0x0] =	vst.idx.msk $0xffff, v13;
	v13 =	vand.u32 $0x77, v18;
	v14 =	vand.u32 $0xC00, v15  }
0x17b: {  	v15 =	vld.idx.msk [tilespmem:v17+s17+$0x0], $0xffff;
	v13 =	vor.u32 v13, v14  }
0x17c: {  	v12 =	vld.idx.msk [tilespmem:v12+s17+$0x0], $0xffff;
	v14 =	vor.u32 v2, v13  }
0x17d: {  	v13 =	vor.u32 v3, v13  }
0x17e: {  	v16 =	vor.u32 v0, v11  }
0x17f: {  	s3 =	sadd.s32 $0xFFFFFFF9, s29;
	v11 =	vor.u32 v1, v11  }
0x180: {  	v17 =	vmov s3  }
0x181: {  	[tilespmem:v14+s28+$0x0] =	vst.idx.msk $0xffff, v15;
	v14 =	vshll.u32 v17, $0x3  }
0x182: {  	[tilespmem:v13+s28+$0x0] =	vst.idx.msk $0xffff, v12;
	v12 =	vand.u32 $0x78, v17;
	v13 =	vand.u32 $0xC00, v14  }
0x183: {  	v14 =	vld.idx.msk [tilespmem:v16+s18+$0x0], $0xffff;
	v12 =	vor.u32 v12, v13  }
0x184: {  	v11 =	vld.idx.msk [tilespmem:v11+s18+$0x0], $0xffff;
	v13 =	vor.u32 v2, v12  }
0x185: {  	v12 =	vor.u32 v3, v12  }
0x186: {  	v15 =	vor.u32 v0, v10  }
0x187: {  	s3 =	sadd.s32 $0xFFFFFFFA, s29;
	v10 =	vor.u32 v1, v10  }
0x188: {  	v16 =	vmov s3  }
0x189: {  	[tilespmem:v13+s28+$0x0] =	vst.idx.msk $0xffff, v14;
	v13 =	vshll.u32 v16, $0x3  }
0x18a: {  	[tilespmem:v12+s28+$0x0] =	vst.idx.msk $0xffff, v11;
	v11 =	vand.u32 $0x79, v16;
	v12 =	vand.u32 $0xC00, v13  }
0x18b: {  	v13 =	vld.idx.msk [tilespmem:v15+s19+$0x0], $0xffff;
	v11 =	vor.u32 v11, v12  }
0x18c: {  	v10 =	vld.idx.msk [tilespmem:v10+s19+$0x0], $0xffff;
	v12 =	vor.u32 v2, v11  }
0x18d: {  	v11 =	vor.u32 v3, v11  }
0x18e: {  	v14 =	vor.u32 v0, v9  }
0x18f: {  	s3 =	sadd.s32 $0xFFFFFFFB, s29;
	v9 =	vor.u32 v1, v9  }
0x190: {  	v15 =	vmov s3  }
0x191: {  	[tilespmem:v12+s28+$0x0] =	vst.idx.msk $0xffff, v13;
	v12 =	vshll.u32 v15, $0x3  }
0x192: {  	[tilespmem:v11+s28+$0x0] =	vst.idx.msk $0xffff, v10;
	v10 =	vand.u32 $0x7A, v15;
	v11 =	vand.u32 $0xC00, v12  }
0x193: {  	v12 =	vld.idx.msk [tilespmem:v14+s20+$0x0], $0xffff;
	v10 =	vor.u32 v10, v11  }
0x194: {  	v9 =	vld.idx.msk [tilespmem:v9+s20+$0x0], $0xffff;
	v11 =	vor.u32 v2, v10  }
0x195: {  	v10 =	vor.u32 v3, v10  }
0x196: {  	v13 =	vor.u32 v0, v8  }
0x197: {  	s3 =	sadd.s32 $0xFFFFFFFC, s29;
	v8 =	vor.u32 v1, v8  }
0x198: {  	v14 =	vmov s3  }
0x199: {  	[tilespmem:v11+s28+$0x0] =	vst.idx.msk $0xffff, v12;
	v11 =	vshll.u32 v14, $0x3  }
0x19a: {  	[tilespmem:v10+s28+$0x0] =	vst.idx.msk $0xffff, v9;
	v9 =	vand.u32 $0x7B, v14;
	v10 =	vand.u32 $0xC00, v11  }
0x19b: {  	v11 =	vld.idx.msk [tilespmem:v13+s21+$0x0], $0xffff;
	v9 =	vor.u32 v9, v10  }
0x19c: {  	v8 =	vld.idx.msk [tilespmem:v8+s21+$0x0], $0xffff;
	v10 =	vor.u32 v2, v9  }
0x19d: {  	v9 =	vor.u32 v3, v9  }
0x19e: {  	v12 =	vor.u32 v0, v7  }
0x19f: {  	s3 =	sadd.s32 $0xFFFFFFFD, s29;
	v7 =	vor.u32 v1, v7  }
0x1a0: {  	v13 =	vmov s3  }
0x1a1: {  	[tilespmem:v10+s28+$0x0] =	vst.idx.msk $0xffff, v11;
	v10 =	vshll.u32 v13, $0x3  }
0x1a2: {  	[tilespmem:v9+s28+$0x0] =	vst.idx.msk $0xffff, v8;
	v8 =	vand.u32 $0x7C, v13;
	v9 =	vand.u32 $0xC00, v10  }
0x1a3: {  	v10 =	vld.idx.msk [tilespmem:v12+s22+$0x0], $0xffff;
	v8 =	vor.u32 v8, v9  }
0x1a4: {  	v7 =	vld.idx.msk [tilespmem:v7+s22+$0x0], $0xffff;
	v9 =	vor.u32 v2, v8  }
0x1a5: {  	v8 =	vor.u32 v3, v8  }
0x1a6: {  	v11 =	vor.u32 v0, v6  }
0x1a7: {  	s3 =	sadd.s32 $0xFFFFFFFE, s29;
	v6 =	vor.u32 v1, v6  }
0x1a8: {  	v12 =	vmov s3  }
0x1a9: {  	[tilespmem:v9+s28+$0x0] =	vst.idx.msk $0xffff, v10;
	v9 =	vshll.u32 v12, $0x3  }
0x1aa: {  	[tilespmem:v8+s28+$0x0] =	vst.idx.msk $0xffff, v7;
	v7 =	vand.u32 $0x7D, v12;
	v8 =	vand.u32 $0xC00, v9  }
0x1ab: {  	v9 =	vld.idx.msk [tilespmem:v11+s23+$0x0], $0xffff;
	v7 =	vor.u32 v7, v8  }
0x1ac: {  	v6 =	vld.idx.msk [tilespmem:v6+s23+$0x0], $0xffff;
	v8 =	vor.u32 v2, v7  }
0x1ad: {  	v7 =	vor.u32 v3, v7  }
0x1ae: {  	v10 =	vor.u32 v0, v5  }
0x1af: {  	s3 =	sadd.s32 $0xFFFFFFFF, s29;
	v5 =	vor.u32 v1, v5  }
0x1b0: {  	v11 =	vmov s3  }
0x1b1: {  	[tilespmem:v8+s28+$0x0] =	vst.idx.msk $0xffff, v9;
	v8 =	vshll.u32 v11, $0x3  }
0x1b2: {  	[tilespmem:v7+s28+$0x0] =	vst.idx.msk $0xffff, v6;
	v6 =	vand.u32 $0x7E, v11;
	v7 =	vand.u32 $0xC00, v8  }
0x1b3: {  	v8 =	vld.idx.msk [tilespmem:v10+s24+$0x0], $0xffff;
	v6 =	vor.u32 v6, v7  }
0x1b4: {  	v5 =	vld.idx.msk [tilespmem:v5+s24+$0x0], $0xffff;
	v7 =	vor.u32 v2, v6  }
0x1b5: {  	v6 =	vor.u32 v3, v6  }
0x1b6: {  	v9 =	vor.u32 v0, v4  }
0x1b7: {  	v4 =	vor.u32 v1, v4  }
0x1b8: {  	v10 =	vmov s29  }
0x1b9: {  	[tilespmem:v7+s28+$0x0] =	vst.idx.msk $0xffff, v8;
	v7 =	vshll.u32 v10, $0x3  }
0x1ba: {  	[tilespmem:v6+s28+$0x0] =	vst.idx.msk $0xffff, v5;
	v5 =	vand.u32 $0x7F, v10;
	v6 =	vand.u32 $0xC00, v7  }
0x1bb: {  	v7 =	vld.idx.msk [tilespmem:v9+s25+$0x0], $0xffff;
	v5 =	vor.u32 v5, v6  }
0x1bc: {  	v4 =	vld.idx.msk [tilespmem:v4+s25+$0x0], $0xffff;
	v6 =	vor.u32 v2, v5  }
.Ltmp0:
0x1bd: {  	v5 =	vor.u32 v3, v5;
	(pc) =	sbr.rel @p0 .LBB2_2-.Ltmp0, $2  }
0x1be: {  	_ =	sdelay $0x2  }
0x1bf: {  	[tilespmem:v6+s28+$0x0] =	vst.idx.msk $0xffff, v7  }
0x1c0: {  	_ =	sdelay $0x1  }
0x1c1: {  	s31 =	sadd.s32 $0x1, s31  }
0x1c2: {  	p0 =	sne.s32 s31, s6  }
.Ltmp1:
0x1c3: {  	[tilespmem:v5+s28+$0x0] =	vst.idx.msk $0xffff, v4;
	s1 =	simm.s32 $0x1000;
	s2 =	simm.s32 $0x20000;
	(pc) =	sbr.rel @p0 .LBB2_1-.Ltmp1, $4  }
0x1c4: {  	[hbm4b:s5+s1] =	stream.strided.scatter [tilespmem:s28], [sflag:$0x2], $0x4000, s2, s1, $0x38;
	[tilespmem:$0x14200] =	vst v63  }
0x1c5: {  	_ =	swait.ge [sflag:s7], $0x4000  }
0x1c6: {  	[sflag:s7] =	ssyncset.done $0x0  }
0x1c7: {  	[sflag:s7] =	ssyncadd.s32 $0xFFFFC000  }
0x1c8: {  	_ =	sfence.sel $0x180000  }
0x1c9: {  	[bflag:$0x0] =	sbarrier.arrive $0xFFFF  }
0x1ca: {  	_ =	strace $0x90000047  }
0x1cb: {  	s0 =	stileid.u32;
	[bflag:$0x2] =	sbarrier.arrive $0xFFFF  }
0x1cc: {  	p0 =	sne.s32 s0, $0x0;
	s0 =	rddreg [dreg:$0x3]  }
0x1cd: {  	s0 =	sadd.s32 @!p0 $0x100000, s0  }
0x1ce: {  	[sflag:s0] =	ssyncadd.tile.s32 @!p0 $0x1;
	_ =	shalt  }
.Lfunc_end2:
_tile_overlayer_lowered:
.L_overlay_start_2:
0x1cf: {  	(tag) =	ssettag $0x2  }
0x1d0: {  	s0 =	rddreg [dreg:$0x0];
	s2 =	stileid.u32  }
0x1d1: {  	s1 =	rddreg [dreg:$0x1];
	p0 =	sne.s32 s2, $0x0  }
0x1d2: {  	s3 =	rddreg [dreg:$0x2];
	[bflag:$0x3] =	sbarrier.arrive $0xFFFF;
	s2 =	simm.s32 @!p0 $0x1C02  }
0x1d3: {  	[timem:s3], [sflag:s2] =	dma.local @!p0 [hbm:s0], s1  }
0x1d4: {  	s0 =	simm.s32 @!p0 $0x2  }
0x1d5: {  	_ =	swait.ge @!p0 [sflag:s0], s1  }
0x1d6: {  	s1 =	ssub.s32 @!p0 $0x0, s1;
	[sflag:s0] =	ssyncset.done @!p0 $0x0  }
0x1d7: {  	[sflag:s0] =	ssyncadd.s32 @!p0 s1  }
0x1d8: {  	[bflag:$0x3] =	sbarrier.arrive $0xFFFF  }
0x1d9: {  	_ =	shalt  }

</sc_bundles>
